<compile_context>
chip_gen: v7x
topology: tpu7x:2x2x1
jax: 0.10.2.dev20260603
libtpu: 0.0.44.dev20260713+nightly
codegen_flags: <defaults>
</compile_context>

<pallas_src>
import functools

import jax
import jax.numpy as jnp
from jax import lax
from jax.experimental import pallas as pl
from jax.experimental.pallas import tpu as pltpu
from jax.experimental.pallas import tpu_sc as plsc

S, B, D, K = 2048, 4, 64, 8192
M = S * B

MB = 2048
KCH = 512
NKCH = K // KCH

NC, NS = 2, 16
NW = NC * NS
RPW = M // NW
SPW = RPW // B
GCH = 128
NG = RPW // GCH

DA = D + 8


def _argmin_body(x_ref, cb_ref, out_ref, ids_ref, cba_ref):
    i = pl.program_id(0)

    @pl.when(i == 0)
    def _init():
        ids_ref[...] = lax.broadcasted_iota(
            jnp.int32, (MB, KCH), 1).astype(jnp.float32)
        cb = cb_ref[...]
        c2 = jnp.sum(cb * cb, axis=1, keepdims=True)
        c2_hi = c2.astype(jnp.bfloat16).astype(jnp.float32)
        cba_ref[...] = jnp.concatenate(
            [cb, c2_hi, c2 - c2_hi,
             jnp.zeros((K, DA - D - 2), jnp.float32)], axis=1)

    xa = jnp.concatenate(
        [x_ref[...] * -2.0,
         jnp.ones((MB, 2), jnp.float32),
         jnp.zeros((MB, DA - D - 2), jnp.float32)], axis=1)

    ids = ids_ref[...]
    mn = jnp.full((MB, 1), jnp.inf, jnp.float32)
    ai = jnp.zeros((MB, 1), jnp.float32)
    for jj in range(NKCH):
        score = lax.dot_general(
            xa, cba_ref[pl.ds(jj * KCH, KCH), :], (((1,), (1,)), ((), ())),
            precision=lax.Precision.DEFAULT)
        bmin = jnp.min(score, axis=1, keepdims=True)
        barg = jnp.min(jnp.where(score == bmin, ids, jnp.inf),
                       axis=1, keepdims=True)
        better = bmin < mn
        ai = jnp.where(better, barg + jnp.float32(KCH) * jj, ai)
        mn = jnp.where(better, bmin, mn)

    out_ref[...] = ai.astype(jnp.int32)


_argmin_call = pl.pallas_call(
    _argmin_body,
    grid=(M // MB,),
    in_specs=[
        pl.BlockSpec((MB, D), lambda i: (i, 0)),
        pl.BlockSpec((K, D), lambda i: (0, 0)),
    ],
    out_specs=pl.BlockSpec((MB, 1), lambda i: (i, 0)),
    out_shape=jax.ShapeDtypeStruct((M, 1), jnp.int32),
    scratch_shapes=[
        pltpu.VMEM((MB, KCH), jnp.float32),
        pltpu.VMEM((K, DA), jnp.float32),
    ],
    compiler_params=pltpu.CompilerParams(
        dimension_semantics=("arbitrary",)),
)


DP = 128


def _gather_body(emb_hbm, idx_hbm, pe_hbm, out_hbm, idx_v, pe_v, rows_v, out_v,
                 sem, pe_sem):
    wid = lax.axis_index("s") * NC + lax.axis_index("c")
    base = wid * RPW
    pe_cp = pltpu.async_copy(pe_hbm.at[pl.ds(wid * SPW, SPW)], pe_v, pe_sem)
    pltpu.sync_copy(idx_hbm.at[pl.ds(wid * NG, NG)], idx_v)
    copies = [
        pltpu.async_copy(emb_hbm.at[idx_v.at[g]],
                         rows_v.at[pl.ds(g * GCH, GCH)], sem)
        for g in range(NG)
    ]
    pe_cp.wait()

    spg = GCH // B

    def _add_pe(sj, carry):
        for c in range(D // 16):
            pev = pe_v[sj, pl.ds(c * 16, 16)]
            for r in range(B):
                row = sj * B + r
                out_v[row, pl.ds(c * 16, 16)] = (
                    rows_v[row, pl.ds(c * 16, 16)] + pev)
        return carry

    for g in range(NG):
        copies[g].wait()
        lax.fori_loop(g * spg, (g + 1) * spg, _add_pe, 0)
    pltpu.sync_copy(out_v, out_hbm.at[pl.ds(base, RPW)])


@functools.cache
def _gather_call():
    return functools.partial(
        pl.kernel,
        mesh=plsc.VectorSubcoreMesh(core_axis_name="c", subcore_axis_name="s"),
        out_type=jax.ShapeDtypeStruct((M, D), jnp.float32),
        scratch_types=[
            pltpu.VMEM((NG, GCH), jnp.int32),
            pltpu.VMEM((SPW, D), jnp.float32),
            pltpu.VMEM((RPW, DP), jnp.float32),
            pltpu.VMEM((RPW, D), jnp.float32),
            pltpu.SemaphoreType.DMA,
            pltpu.SemaphoreType.DMA,
        ],
    )(_gather_body)


def kernel(x, aq_embedding, codebook, pe):
    x2d = x.reshape(M, D)
    pe2d = pe[:S, 0, :]
    emb_pad = jnp.concatenate(
        [aq_embedding, jnp.zeros((K, DP - D), jnp.float32)], axis=1)
    idx = _argmin_call(x2d, codebook).reshape(M // GCH, GCH)
    out2d = _gather_call()(emb_pad, idx, pe2d)
    return out2d.reshape(S, B, D)

# --- scband reference (transcript-rebuilt; emitter-appended) ---
"""Pipeline reference for scband-speaking-encoder-87754771792645 (READ-ONLY COPY).

The authoritative reference and input builder live on the scoring server;
editing this copy changes nothing except your own understanding.
"""

import jax, jax.numpy as jnp
import numpy as np
import math

S = 2048
B = 4
D = 64
K = 8192
MAX_LEN = 5000


def _build_pe(d_model, max_len=MAX_LEN):
    position = np.arange(max_len, dtype=np.float32)[:, None]
    div_term = np.exp(np.arange(0, d_model, 2, dtype=np.float32) * (-math.log(10000.0) / d_model))
    pe = np.zeros((max_len, 1, d_model), dtype=np.float32)
    pe[:, 0, 0::2] = np.sin(position * div_term)
    pe[:, 0, 1::2] = np.cos(position * div_term)
    return jnp.asarray(pe)


def setup_inputs(seed: int = 0) -> dict:
    key = jax.random.key(seed)
    k1, k2, k3 = jax.random.split(key, 3)
    x = jax.random.normal(k1, (S, B, D), dtype=jnp.float32)
    aq_embedding = jax.random.normal(k2, (K, D), dtype=jnp.float32) * 0.02
    codebook = jax.random.normal(k3, (K, D), dtype=jnp.float32)
    pe = _build_pe(D)
    return {"x": x, "aq_embedding": aq_embedding, "codebook": codebook, "pe": pe}


def reference(x, aq_embedding, codebook, pe):
    # AudioQuantizer: cdist(x, codebook, p=2) -> argmin -> embedding lookup
    x2 = jnp.sum(x * x, axis=-1, keepdims=True)            # [S, B, 1]
    c2 = jnp.sum(codebook * codebook, axis=-1)             # [K]
    cross = jnp.einsum('sbd,kd->sbk', x, codebook)         # [S, B, K]
    d2 = x2 + c2[None, None, :] - 2.0 * cross
    distances = jnp.sqrt(jnp.maximum(d2, 0.0))             # euclidean cdist
    indices = jnp.argmin(distances, axis=-1)               # [S, B]
    q = jnp.take(aq_embedding, indices, axis=0)            # [S, B, D]
    # PositionalEncoding: x + pe[:x.size(0)] ; pe is [S, 1, D], broadcasts over B
    out = q + pe[: x.shape[0]]
    return out

if __name__ == "__main__":
    import jax
    _d = setup_inputs()
    print(jax.jit(kernel)(*tuple(_d.values())))

</pallas_src>

<mosaic_0001>
#map = affine_map<(d0, d1) -> (0, 0)>
module attributes {stable_mosaic.version = 14 : i64} {
  func.func @_gather_body(%arg0: i32, %arg1: i32, %arg2: memref<8192x128xf32, #tpu.memory_space<hbm>>, %arg3: memref<64x128xi32, #tpu.memory_space<hbm>>, %arg4: memref<2048x64xf32, #tpu.memory_space<hbm>>, %arg5: memref<8192x64xf32, #tpu.memory_space<hbm>>, %arg6: memref<2x128xi32, #tpu.memory_space<vmem>>, %arg7: memref<64x64xf32, #tpu.memory_space<vmem>>, %arg8: memref<256x128xf32, #tpu.memory_space<vmem>>, %arg9: memref<256x64xf32, #tpu.memory_space<vmem>>, %arg10: memref<!tpu.dma_semaphore, #tpu.memory_space<semaphore_mem>>, %arg11: memref<!tpu.dma_semaphore, #tpu.memory_space<semaphore_mem>>) attributes {dimension_semantics = [#tpu.dimension_semantics<core_parallel>, #tpu.dimension_semantics<subcore_parallel>], iteration_bounds = array<i64: 2, 16>, scalar_prefetch = 0 : i64, scratch_operands = 6 : i64, tpu.core_type = #tpu.core_type<sc_vector_subcore>, window_params = [{transform_indices = #map}, {transform_indices = #map}, {transform_indices = #map}, {transform_indices = #map}]} {
    %mul3A = arith.constant 2 : i32
    %mul3A_0 = arith.muli %arg1, %mul3A : i32
    %add3A = arith.addi %mul3A_0, %arg0 : i32
    %mul3A_1 = arith.constant 256 : i32
    %mul3A_2 = arith.muli %add3A, %mul3A_1 : i32
    %mul3A_3 = arith.constant 64 : i32
    %mul3A_4 = arith.muli %add3A, %mul3A_3 : i32
    %dma_start3A = arith.constant 0 : i32
    %dma_start3A_5 = tpu.memref_slice %arg4[%mul3A_4, %dma_start3A] : memref<2048x64xf32, #tpu.memory_space<hbm>> -> memref<64x64xf32, #tpu.memory_space<hbm>>
    %dma_start3A_6 = arith.constant 0 : i32
    %dma_start3A_7 = tpu.memref_slice %arg4[%mul3A_4, %dma_start3A_6] : memref<2048x64xf32, #tpu.memory_space<hbm>> -> memref<64x64xf32, #tpu.memory_space<hbm>>
    tpu.enqueue_dma source(%dma_start3A_7 : memref<64x64xf32, #tpu.memory_space<hbm>>) target(%arg7 : memref<64x64xf32, #tpu.memory_space<vmem>>) target_semaphore(%arg11 : memref<!tpu.dma_semaphore, #tpu.memory_space<semaphore_mem>>)
    %mul3A_8 = arith.constant 2 : i32
    %mul3A_9 = arith.muli %add3A, %mul3A_8 : i32
    "tpu.region"() ({
      %run_scoped3A = tpu.sem_alloc : memref<!tpu.dma_semaphore, #tpu.memory_space<semaphore_mem>>
      %dma_start3A_64 = arith.constant 0 : i32
      %dma_start3A_65 = tpu.memref_slice %arg3[%mul3A_9, %dma_start3A_64] : memref<64x128xi32, #tpu.memory_space<hbm>> -> memref<2x128xi32, #tpu.memory_space<hbm>>
      %dma_start3A_66 = arith.constant 0 : i32
      %dma_start3A_67 = tpu.memref_slice %arg3[%mul3A_9, %dma_start3A_66] : memref<64x128xi32, #tpu.memory_space<hbm>> -> memref<2x128xi32, #tpu.memory_space<hbm>>
      tpu.enqueue_dma source(%dma_start3A_67 : memref<2x128xi32, #tpu.memory_space<hbm>>) target(%arg6 : memref<2x128xi32, #tpu.memory_space<vmem>>) target_semaphore(%run_scoped3A : memref<!tpu.dma_semaphore, #tpu.memory_space<semaphore_mem>>)
      %dma_wait3A_68 = arith.constant 0 : i32
      %dma_wait3A_69 = tpu.memref_slice %arg3[%mul3A_9, %dma_wait3A_68] : memref<64x128xi32, #tpu.memory_space<hbm>> -> memref<2x128xi32, #tpu.memory_space<hbm>>
      %dma_wait3A_70 = arith.constant 0 : i32
      %dma_wait3A_71 = tpu.memref_slice %arg3[%mul3A_9, %dma_wait3A_70] : memref<64x128xi32, #tpu.memory_space<hbm>> -> memref<2x128xi32, #tpu.memory_space<hbm>>
      tpu.wait_dma2 semaphore(%run_scoped3A : memref<!tpu.dma_semaphore, #tpu.memory_space<semaphore_mem>>) src(%dma_wait3A_71 : memref<2x128xi32, #tpu.memory_space<hbm>>) dst(%arg6 : memref<2x128xi32, #tpu.memory_space<vmem>>)
      tpu.yield
    }) : () -> ()
    %dma_start3A_10 = arith.constant 0 : i32
    %dma_start3A_11 = arith.constant 0 : i32
    %dma_start3A_12 = arith.constant 0 : i32
    %dma_start3A_13 = tpu.memref_slice %arg8[%dma_start3A_11, %dma_start3A_12] : memref<256x128xf32, #tpu.memory_space<vmem>> -> memref<128x128xf32, #tpu.memory_space<vmem>>
    %dma_start3A_14 = arith.constant 0 : i32
    %dma_start3A_15 = tpu.memref_slice %arg6[%dma_start3A_10, %dma_start3A_14] : memref<2x128xi32, #tpu.memory_space<vmem>> -> memref<1x128xi32, #tpu.memory_space<vmem>>
    %dma_start3A_16 = tpu.memref_squeeze %dma_start3A_15 : memref<1x128xi32, #tpu.memory_space<vmem>> -> memref<128xi32, #tpu.memory_space<vmem>>
    %dma_start3A_17 = arith.constant 0 : i32
    %dma_start3A_18 = arith.constant 0 : i32
    %dma_start3A_19 = tpu.memref_slice %arg2[%dma_start3A_17, %dma_start3A_18] : memref<8192x128xf32, #tpu.memory_space<hbm>> -> memref<8192x128xf32, #tpu.memory_space<hbm>>
    tpu.enqueue_indirect_dma source(%dma_start3A_19 : memref<8192x128xf32, #tpu.memory_space<hbm>>) target(%dma_start3A_13 : memref<128x128xf32, #tpu.memory_space<vmem>>) offsets(%dma_start3A_16 : memref<128xi32, #tpu.memory_space<vmem>>) semaphore(%arg10 : memref<!tpu.dma_semaphore, #tpu.memory_space<semaphore_mem>>)
    %dma_start3A_20 = arith.constant 1 : i32
    %dma_start3A_21 = arith.constant 128 : i32
    %dma_start3A_22 = arith.constant 0 : i32
    %dma_start3A_23 = tpu.memref_slice %arg8[%dma_start3A_21, %dma_start3A_22] : memref<256x128xf32, #tpu.memory_space<vmem>> -> memref<128x128xf32, #tpu.memory_space<vmem>>
    %dma_start3A_24 = arith.constant 0 : i32
    %dma_start3A_25 = tpu.memref_slice %arg6[%dma_start3A_20, %dma_start3A_24] : memref<2x128xi32, #tpu.memory_space<vmem>> -> memref<1x128xi32, #tpu.memory_space<vmem>>
    %dma_start3A_26 = tpu.memref_squeeze %dma_start3A_25 : memref<1x128xi32, #tpu.memory_space<vmem>> -> memref<128xi32, #tpu.memory_space<vmem>>
    %dma_start3A_27 = arith.constant 0 : i32
    %dma_start3A_28 = arith.constant 0 : i32
    %dma_start3A_29 = tpu.memref_slice %arg2[%dma_start3A_27, %dma_start3A_28] : memref<8192x128xf32, #tpu.memory_space<hbm>> -> memref<8192x128xf32, #tpu.memory_space<hbm>>
    tpu.enqueue_indirect_dma source(%dma_start3A_29 : memref<8192x128xf32, #tpu.memory_space<hbm>>) target(%dma_start3A_23 : memref<128x128xf32, #tpu.memory_space<vmem>>) offsets(%dma_start3A_26 : memref<128xi32, #tpu.memory_space<vmem>>) semaphore(%arg10 : memref<!tpu.dma_semaphore, #tpu.memory_space<semaphore_mem>>)
    %dma_wait3A = arith.constant 0 : i32
    %dma_wait3A_30 = tpu.memref_slice %arg4[%mul3A_4, %dma_wait3A] : memref<2048x64xf32, #tpu.memory_space<hbm>> -> memref<64x64xf32, #tpu.memory_space<hbm>>
    %dma_wait3A_31 = arith.constant 0 : i32
    %dma_wait3A_32 = tpu.memref_slice %arg4[%mul3A_4, %dma_wait3A_31] : memref<2048x64xf32, #tpu.memory_space<hbm>> -> memref<64x64xf32, #tpu.memory_space<hbm>>
    tpu.wait_dma2 semaphore(%arg11 : memref<!tpu.dma_semaphore, #tpu.memory_space<semaphore_mem>>) src(%dma_wait3A_32 : memref<64x64xf32, #tpu.memory_space<hbm>>) dst(%arg7 : memref<64x64xf32, #tpu.memory_space<vmem>>)
    %dma_wait3A_33 = arith.constant 0 : i32
    %dma_wait3A_34 = arith.constant 0 : i32
    %dma_wait3A_35 = arith.constant 0 : i32
    %dma_wait3A_36 = tpu.memref_slice %arg8[%dma_wait3A_34, %dma_wait3A_35] : memref<256x128xf32, #tpu.memory_space<vmem>> -> memref<128x128xf32, #tpu.memory_space<vmem>>
    %dma_wait3A_37 = arith.constant 0 : i32
    %dma_wait3A_38 = tpu.memref_slice %arg6[%dma_wait3A_33, %dma_wait3A_37] : memref<2x128xi32, #tpu.memory_space<vmem>> -> memref<1x128xi32, #tpu.memory_space<vmem>>
    %dma_wait3A_39 = tpu.memref_squeeze %dma_wait3A_38 : memref<1x128xi32, #tpu.memory_space<vmem>> -> memref<128xi32, #tpu.memory_space<vmem>>
    %dma_wait3A_40 = arith.constant 0 : i32
    %dma_wait3A_41 = arith.constant 0 : i32
    %dma_wait3A_42 = tpu.memref_slice %arg2[%dma_wait3A_40, %dma_wait3A_41] : memref<8192x128xf32, #tpu.memory_space<hbm>> -> memref<8192x128xf32, #tpu.memory_space<hbm>>
    tpu.wait_indirect_dma semaphore(%arg10 : memref<!tpu.dma_semaphore, #tpu.memory_space<semaphore_mem>>) src(%dma_wait3A_42 : memref<8192x128xf32, #tpu.memory_space<hbm>>) dst(%dma_wait3A_36 : memref<128x128xf32, #tpu.memory_space<vmem>>)
    %scan3A = arith.constant 0 : i32
    %scan3A_43 = arith.constant 0 : i32
    %scan3A_44 = arith.constant 32 : i32
    %scan3A_45 = arith.addi %scan3A_43, %scan3A_44 : i32
    %scan3A_46 = arith.constant 1 : i32
    scf.for %scan3A_64 = %scan3A_43 to %scan3A_45 step %scan3A_46  : i32 {
      %get3A = arith.index_cast %scan3A_64 : i32 to index
      %get3A_65 = arith.constant 0 : index
      %get3A_66 = tpu.vector_load %arg7[%get3A, %get3A_65] {strides = array<i32>} : memref<64x64xf32, #tpu.memory_space<vmem>>, vector<1x16xf32>,
      %get3A_67 = vector.shape_cast %get3A_66 : vector<1x16xf32> to vector<16xf32>
      %mul3A_68 = arith.constant 4 : i32
      %mul3A_69 = arith.muli %scan3A_64, %mul3A_68 : i32
      %add3A_70 = arith.constant 0 : i32
      %add3A_71 = arith.addi %mul3A_69, %add3A_70 : i32
      %get3A_72 = arith.index_cast %add3A_71 : i32 to index
      %get3A_73 = arith.constant 0 : index
      %get3A_74 = tpu.vector_load %arg8[%get3A_72, %get3A_73] {strides = array<i32>} : memref<256x128xf32, #tpu.memory_space<vmem>>, vector<1x16xf32>,
      %get3A_75 = vector.shape_cast %get3A_74 : vector<1x16xf32> to vector<16xf32>
      %add3A_76 = arith.addf %get3A_75, %get3A_67 : vector<16xf32>
      %swap3A = arith.index_cast %add3A_71 : i32 to index
      %swap3A_77 = arith.constant 0 : index
      %swap3A_78 = tpu.vector_load %arg9[%swap3A, %swap3A_77] {strides = array<i32>} : memref<256x64xf32, #tpu.memory_space<vmem>>, vector<1x16xf32>,
      %swap3A_79 = vector.shape_cast %swap3A_78 : vector<1x16xf32> to vector<16xf32>
      %swap3A_80 = vector.shape_cast %add3A_76 : vector<16xf32> to vector<1x16xf32>
      tpu.vector_store %arg9[%swap3A, %swap3A_77], %swap3A_80 {strides = array<i32>} : memref<256x64xf32, #tpu.memory_space<vmem>>, vector<1x16xf32>,
      %mul3A_81 = arith.constant 4 : i32
      %mul3A_82 = arith.muli %scan3A_64, %mul3A_81 : i32
      %add3A_83 = arith.constant 1 : i32
      %add3A_84 = arith.addi %mul3A_82, %add3A_83 : i32
      %get3A_85 = arith.index_cast %add3A_84 : i32 to index
      %get3A_86 = arith.constant 0 : index
      %get3A_87 = tpu.vector_load %arg8[%get3A_85, %get3A_86] {strides = array<i32>} : memref<256x128xf32, #tpu.memory_space<vmem>>, vector<1x16xf32>,
      %get3A_88 = vector.shape_cast %get3A_87 : vector<1x16xf32> to vector<16xf32>
      %add3A_89 = arith.addf %get3A_88, %get3A_67 : vector<16xf32>
      %swap3A_90 = arith.index_cast %add3A_84 : i32 to index
      %swap3A_91 = arith.constant 0 : index
      %swap3A_92 = tpu.vector_load %arg9[%swap3A_90, %swap3A_91] {strides = array<i32>} : memref<256x64xf32, #tpu.memory_space<vmem>>, vector<1x16xf32>,
      %swap3A_93 = vector.shape_cast %swap3A_92 : vector<1x16xf32> to vector<16xf32>
      %swap3A_94 = vector.shape_cast %add3A_89 : vector<16xf32> to vector<1x16xf32>
      tpu.vector_store %arg9[%swap3A_90, %swap3A_91], %swap3A_94 {strides = array<i32>} : memref<256x64xf32, #tpu.memory_space<vmem>>, vector<1x16xf32>,
      %mul3A_95 = arith.constant 4 : i32
      %mul3A_96 = arith.muli %scan3A_64, %mul3A_95 : i32
      %add3A_97 = arith.constant 2 : i32
      %add3A_98 = arith.addi %mul3A_96, %add3A_97 : i32
      %get3A_99 = arith.index_cast %add3A_98 : i32 to index
      %get3A_100 = arith.constant 0 : index
      %get3A_101 = tpu.vector_load %arg8[%get3A_99, %get3A_100] {strides = array<i32>} : memref<256x128xf32, #tpu.memory_space<vmem>>, vector<1x16xf32>,
      %get3A_102 = vector.shape_cast %get3A_101 : vector<1x16xf32> to vector<16xf32>
      %add3A_103 = arith.addf %get3A_102, %get3A_67 : vector<16xf32>
      %swap3A_104 = arith.index_cast %add3A_98 : i32 to index
      %swap3A_105 = arith.constant 0 : index
      %swap3A_106 = tpu.vector_load %arg9[%swap3A_104, %swap3A_105] {strides = array<i32>} : memref<256x64xf32, #tpu.memory_space<vmem>>, vector<1x16xf32>,
      %swap3A_107 = vector.shape_cast %swap3A_106 : vector<1x16xf32> to vector<16xf32>
      %swap3A_108 = vector.shape_cast %add3A_103 : vector<16xf32> to vector<1x16xf32>
      tpu.vector_store %arg9[%swap3A_104, %swap3A_105], %swap3A_108 {strides = array<i32>} : memref<256x64xf32, #tpu.memory_space<vmem>>, vector<1x16xf32>,
      %mul3A_109 = arith.constant 4 : i32
      %mul3A_110 = arith.muli %scan3A_64, %mul3A_109 : i32
      %add3A_111 = arith.constant 3 : i32
      %add3A_112 = arith.addi %mul3A_110, %add3A_111 : i32
      %get3A_113 = arith.index_cast %add3A_112 : i32 to index
      %get3A_114 = arith.constant 0 : index
      %get3A_115 = tpu.vector_load %arg8[%get3A_113, %get3A_114] {strides = array<i32>} : memref<256x128xf32, #tpu.memory_space<vmem>>, vector<1x16xf32>,
      %get3A_116 = vector.shape_cast %get3A_115 : vector<1x16xf32> to vector<16xf32>
      %add3A_117 = arith.addf %get3A_116, %get3A_67 : vector<16xf32>
      %swap3A_118 = arith.index_cast %add3A_112 : i32 to index
      %swap3A_119 = arith.constant 0 : index
      %swap3A_120 = tpu.vector_load %arg9[%swap3A_118, %swap3A_119] {strides = array<i32>} : memref<256x64xf32, #tpu.memory_space<vmem>>, vector<1x16xf32>,
      %swap3A_121 = vector.shape_cast %swap3A_120 : vector<1x16xf32> to vector<16xf32>
      %swap3A_122 = vector.shape_cast %add3A_117 : vector<16xf32> to vector<1x16xf32>
      tpu.vector_store %arg9[%swap3A_118, %swap3A_119], %swap3A_122 {strides = array<i32>} : memref<256x64xf32, #tpu.memory_space<vmem>>, vector<1x16xf32>,
      %get3A_123 = arith.index_cast %scan3A_64 : i32 to index
      %get3A_124 = arith.constant 16 : index
      %get3A_125 = tpu.vector_load %arg7[%get3A_123, %get3A_124] {strides = array<i32>} : memref<64x64xf32, #tpu.memory_space<vmem>>, vector<1x16xf32>,
      %get3A_126 = vector.shape_cast %get3A_125 : vector<1x16xf32> to vector<16xf32>
      %mul3A_127 = arith.constant 4 : i32
      %mul3A_128 = arith.muli %scan3A_64, %mul3A_127 : i32
      %add3A_129 = arith.constant 0 : i32
      %add3A_130 = arith.addi %mul3A_128, %add3A_129 : i32
      %get3A_131 = arith.index_cast %add3A_130 : i32 to index
      %get3A_132 = arith.constant 16 : index
      %get3A_133 = tpu.vector_load %arg8[%get3A_131, %get3A_132] {strides = array<i32>} : memref<256x128xf32, #tpu.memory_space<vmem>>, vector<1x16xf32>,
      %get3A_134 = vector.shape_cast %get3A_133 : vector<1x16xf32> to vector<16xf32>
      %add3A_135 = arith.addf %get3A_134, %get3A_126 : vector<16xf32>
      %swap3A_136 = arith.index_cast %add3A_130 : i32 to index
      %swap3A_137 = arith.constant 16 : index
      %swap3A_138 = tpu.vector_load %arg9[%swap3A_136, %swap3A_137] {strides = array<i32>} : memref<256x64xf32, #tpu.memory_space<vmem>>, vector<1x16xf32>,
      %swap3A_139 = vector.shape_cast %swap3A_138 : vector<1x16xf32> to vector<16xf32>
      %swap3A_140 = vector.shape_cast %add3A_135 : vector<16xf32> to vector<1x16xf32>
      tpu.vector_store %arg9[%swap3A_136, %swap3A_137], %swap3A_140 {strides = array<i32>} : memref<256x64xf32, #tpu.memory_space<vmem>>, vector<1x16xf32>,
      %mul3A_141 = arith.constant 4 : i32
      %mul3A_142 = arith.muli %scan3A_64, %mul3A_141 : i32
      %add3A_143 = arith.constant 1 : i32
      %add3A_144 = arith.addi %mul3A_142, %add3A_143 : i32
      %get3A_145 = arith.index_cast %add3A_144 : i32 to index
      %get3A_146 = arith.constant 16 : index
      %get3A_147 = tpu.vector_load %arg8[%get3A_145, %get3A_146] {strides = array<i32>} : memref<256x128xf32, #tpu.memory_space<vmem>>, vector<1x16xf32>,
      %get3A_148 = vector.shape_cast %get3A_147 : vector<1x16xf32> to vector<16xf32>
      %add3A_149 = arith.addf %get3A_148, %get3A_126 : vector<16xf32>
      %swap3A_150 = arith.index_cast %add3A_144 : i32 to index
      %swap3A_151 = arith.constant 16 : index
      %swap3A_152 = tpu.vector_load %arg9[%swap3A_150, %swap3A_151] {strides = array<i32>} : memref<256x64xf32, #tpu.memory_space<vmem>>, vector<1x16xf32>,
      %swap3A_153 = vector.shape_cast %swap3A_152 : vector<1x16xf32> to vector<16xf32>
      %swap3A_154 = vector.shape_cast %add3A_149 : vector<16xf32> to vector<1x16xf32>
      tpu.vector_store %arg9[%swap3A_150, %swap3A_151], %swap3A_154 {strides = array<i32>} : memref<256x64xf32, #tpu.memory_space<vmem>>, vector<1x16xf32>,
      %mul3A_155 = arith.constant 4 : i32
      %mul3A_156 = arith.muli %scan3A_64, %mul3A_155 : i32
      %add3A_157 = arith.constant 2 : i32
      %add3A_158 = arith.addi %mul3A_156, %add3A_157 : i32
      %get3A_159 = arith.index_cast %add3A_158 : i32 to index
      %get3A_160 = arith.constant 16 : index
      %get3A_161 = tpu.vector_load %arg8[%get3A_159, %get3A_160] {strides = array<i32>} : memref<256x128xf32, #tpu.memory_space<vmem>>, vector<1x16xf32>,
      %get3A_162 = vector.shape_cast %get3A_161 : vector<1x16xf32> to vector<16xf32>
      %add3A_163 = arith.addf %get3A_162, %get3A_126 : vector<16xf32>
      %swap3A_164 = arith.index_cast %add3A_158 : i32 to index
      %swap3A_165 = arith.constant 16 : index
      %swap3A_166 = tpu.vector_load %arg9[%swap3A_164, %swap3A_165] {strides = array<i32>} : memref<256x64xf32, #tpu.memory_space<vmem>>, vector<1x16xf32>,
      %swap3A_167 = vector.shape_cast %swap3A_166 : vector<1x16xf32> to vector<16xf32>
      %swap3A_168 = vector.shape_cast %add3A_163 : vector<16xf32> to vector<1x16xf32>
      tpu.vector_store %arg9[%swap3A_164, %swap3A_165], %swap3A_168 {strides = array<i32>} : memref<256x64xf32, #tpu.memory_space<vmem>>, vector<1x16xf32>,
      %mul3A_169 = arith.constant 4 : i32
      %mul3A_170 = arith.muli %scan3A_64, %mul3A_169 : i32
      %add3A_171 = arith.constant 3 : i32
      %add3A_172 = arith.addi %mul3A_170, %add3A_171 : i32
      %get3A_173 = arith.index_cast %add3A_172 : i32 to index
      %get3A_174 = arith.constant 16 : index
      %get3A_175 = tpu.vector_load %arg8[%get3A_173, %get3A_174] {strides = array<i32>} : memref<256x128xf32, #tpu.memory_space<vmem>>, vector<1x16xf32>,
      %get3A_176 = vector.shape_cast %get3A_175 : vector<1x16xf32> to vector<16xf32>
      %add3A_177 = arith.addf %get3A_176, %get3A_126 : vector<16xf32>
      %swap3A_178 = arith.index_cast %add3A_172 : i32 to index
      %swap3A_179 = arith.constant 16 : index
      %swap3A_180 = tpu.vector_load %arg9[%swap3A_178, %swap3A_179] {strides = array<i32>} : memref<256x64xf32, #tpu.memory_space<vmem>>, vector<1x16xf32>,
      %swap3A_181 = vector.shape_cast %swap3A_180 : vector<1x16xf32> to vector<16xf32>
      %swap3A_182 = vector.shape_cast %add3A_177 : vector<16xf32> to vector<1x16xf32>
      tpu.vector_store %arg9[%swap3A_178, %swap3A_179], %swap3A_182 {strides = array<i32>} : memref<256x64xf32, #tpu.memory_space<vmem>>, vector<1x16xf32>,
      %get3A_183 = arith.index_cast %scan3A_64 : i32 to index
      %get3A_184 = arith.constant 32 : index
      %get3A_185 = tpu.vector_load %arg7[%get3A_183, %get3A_184] {strides = array<i32>} : memref<64x64xf32, #tpu.memory_space<vmem>>, vector<1x16xf32>,
      %get3A_186 = vector.shape_cast %get3A_185 : vector<1x16xf32> to vector<16xf32>
      %mul3A_187 = arith.constant 4 : i32
      %mul3A_188 = arith.muli %scan3A_64, %mul3A_187 : i32
      %add3A_189 = arith.constant 0 : i32
      %add3A_190 = arith.addi %mul3A_188, %add3A_189 : i32
      %get3A_191 = arith.index_cast %add3A_190 : i32 to index
      %get3A_192 = arith.constant 32 : index
      %get3A_193 = tpu.vector_load %arg8[%get3A_191, %get3A_192] {strides = array<i32>} : memref<256x128xf32, #tpu.memory_space<vmem>>, vector<1x16xf32>,
      %get3A_194 = vector.shape_cast %get3A_193 : vector<1x16xf32> to vector<16xf32>
      %add3A_195 = arith.addf %get3A_194, %get3A_186 : vector<16xf32>
      %swap3A_196 = arith.index_cast %add3A_190 : i32 to index
      %swap3A_197 = arith.constant 32 : index
      %swap3A_198 = tpu.vector_load %arg9[%swap3A_196, %swap3A_197] {strides = array<i32>} : memref<256x64xf32, #tpu.memory_space<vmem>>, vector<1x16xf32>,
      %swap3A_199 = vector.shape_cast %swap3A_198 : vector<1x16xf32> to vector<16xf32>
      %swap3A_200 = vector.shape_cast %add3A_195 : vector<16xf32> to vector<1x16xf32>
      tpu.vector_store %arg9[%swap3A_196, %swap3A_197], %swap3A_200 {strides = array<i32>} : memref<256x64xf32, #tpu.memory_space<vmem>>, vector<1x16xf32>,
      %mul3A_201 = arith.constant 4 : i32
      %mul3A_202 = arith.muli %scan3A_64, %mul3A_201 : i32
      %add3A_203 = arith.constant 1 : i32
      %add3A_204 = arith.addi %mul3A_202, %add3A_203 : i32
      %get3A_205 = arith.index_cast %add3A_204 : i32 to index
      %get3A_206 = arith.constant 32 : index
      %get3A_207 = tpu.vector_load %arg8[%get3A_205, %get3A_206] {strides = array<i32>} : memref<256x128xf32, #tpu.memory_space<vmem>>, vector<1x16xf32>,
      %get3A_208 = vector.shape_cast %get3A_207 : vector<1x16xf32> to vector<16xf32>
      %add3A_209 = arith.addf %get3A_208, %get3A_186 : vector<16xf32>
      %swap3A_210 = arith.index_cast %add3A_204 : i32 to index
      %swap3A_211 = arith.constant 32 : index
      %swap3A_212 = tpu.vector_load %arg9[%swap3A_210, %swap3A_211] {strides = array<i32>} : memref<256x64xf32, #tpu.memory_space<vmem>>, vector<1x16xf32>,
      %swap3A_213 = vector.shape_cast %swap3A_212 : vector<1x16xf32> to vector<16xf32>
      %swap3A_214 = vector.shape_cast %add3A_209 : vector<16xf32> to vector<1x16xf32>
      tpu.vector_store %arg9[%swap3A_210, %swap3A_211], %swap3A_214 {strides = array<i32>} : memref<256x64xf32, #tpu.memory_space<vmem>>, vector<1x16xf32>,
      %mul3A_215 = arith.constant 4 : i32
      %mul3A_216 = arith.muli %scan3A_64, %mul3A_215 : i32
      %add3A_217 = arith.constant 2 : i32
      %add3A_218 = arith.addi %mul3A_216, %add3A_217 : i32
      %get3A_219 = arith.index_cast %add3A_218 : i32 to index
      %get3A_220 = arith.constant 32 : index
      %get3A_221 = tpu.vector_load %arg8[%get3A_219, %get3A_220] {strides = array<i32>} : memref<256x128xf32, #tpu.memory_space<vmem>>, vector<1x16xf32>,
      %get3A_222 = vector.shape_cast %get3A_221 : vector<1x16xf32> to vector<16xf32>
      %add3A_223 = arith.addf %get3A_222, %get3A_186 : vector<16xf32>
      %swap3A_224 = arith.index_cast %add3A_218 : i32 to index
      %swap3A_225 = arith.constant 32 : index
      %swap3A_226 = tpu.vector_load %arg9[%swap3A_224, %swap3A_225] {strides = array<i32>} : memref<256x64xf32, #tpu.memory_space<vmem>>, vector<1x16xf32>,
      %swap3A_227 = vector.shape_cast %swap3A_226 : vector<1x16xf32> to vector<16xf32>
      %swap3A_228 = vector.shape_cast %add3A_223 : vector<16xf32> to vector<1x16xf32>
      tpu.vector_store %arg9[%swap3A_224, %swap3A_225], %swap3A_228 {strides = array<i32>} : memref<256x64xf32, #tpu.memory_space<vmem>>, vector<1x16xf32>,
      %mul3A_229 = arith.constant 4 : i32
      %mul3A_230 = arith.muli %scan3A_64, %mul3A_229 : i32
      %add3A_231 = arith.constant 3 : i32
      %add3A_232 = arith.addi %mul3A_230, %add3A_231 : i32
      %get3A_233 = arith.index_cast %add3A_232 : i32 to index
      %get3A_234 = arith.constant 32 : index
      %get3A_235 = tpu.vector_load %arg8[%get3A_233, %get3A_234] {strides = array<i32>} : memref<256x128xf32, #tpu.memory_space<vmem>>, vector<1x16xf32>,
      %get3A_236 = vector.shape_cast %get3A_235 : vector<1x16xf32> to vector<16xf32>
      %add3A_237 = arith.addf %get3A_236, %get3A_186 : vector<16xf32>
      %swap3A_238 = arith.index_cast %add3A_232 : i32 to index
      %swap3A_239 = arith.constant 32 : index
      %swap3A_240 = tpu.vector_load %arg9[%swap3A_238, %swap3A_239] {strides = array<i32>} : memref<256x64xf32, #tpu.memory_space<vmem>>, vector<1x16xf32>,
      %swap3A_241 = vector.shape_cast %swap3A_240 : vector<1x16xf32> to vector<16xf32>
      %swap3A_242 = vector.shape_cast %add3A_237 : vector<16xf32> to vector<1x16xf32>
      tpu.vector_store %arg9[%swap3A_238, %swap3A_239], %swap3A_242 {strides = array<i32>} : memref<256x64xf32, #tpu.memory_space<vmem>>, vector<1x16xf32>,
      %get3A_243 = arith.index_cast %scan3A_64 : i32 to index
      %get3A_244 = arith.constant 48 : index
      %get3A_245 = tpu.vector_load %arg7[%get3A_243, %get3A_244] {strides = array<i32>} : memref<64x64xf32, #tpu.memory_space<vmem>>, vector<1x16xf32>,
      %get3A_246 = vector.shape_cast %get3A_245 : vector<1x16xf32> to vector<16xf32>
      %mul3A_247 = arith.constant 4 : i32
      %mul3A_248 = arith.muli %scan3A_64, %mul3A_247 : i32
      %add3A_249 = arith.constant 0 : i32
      %add3A_250 = arith.addi %mul3A_248, %add3A_249 : i32
      %get3A_251 = arith.index_cast %add3A_250 : i32 to index
      %get3A_252 = arith.constant 48 : index
      %get3A_253 = tpu.vector_load %arg8[%get3A_251, %get3A_252] {strides = array<i32>} : memref<256x128xf32, #tpu.memory_space<vmem>>, vector<1x16xf32>,
      %get3A_254 = vector.shape_cast %get3A_253 : vector<1x16xf32> to vector<16xf32>
      %add3A_255 = arith.addf %get3A_254, %get3A_246 : vector<16xf32>
      %swap3A_256 = arith.index_cast %add3A_250 : i32 to index
      %swap3A_257 = arith.constant 48 : index
      %swap3A_258 = tpu.vector_load %arg9[%swap3A_256, %swap3A_257] {strides = array<i32>} : memref<256x64xf32, #tpu.memory_space<vmem>>, vector<1x16xf32>,
      %swap3A_259 = vector.shape_cast %swap3A_258 : vector<1x16xf32> to vector<16xf32>
      %swap3A_260 = vector.shape_cast %add3A_255 : vector<16xf32> to vector<1x16xf32>
      tpu.vector_store %arg9[%swap3A_256, %swap3A_257], %swap3A_260 {strides = array<i32>} : memref<256x64xf32, #tpu.memory_space<vmem>>, vector<1x16xf32>,
      %mul3A_261 = arith.constant 4 : i32
      %mul3A_262 = arith.muli %scan3A_64, %mul3A_261 : i32
      %add3A_263 = arith.constant 1 : i32
      %add3A_264 = arith.addi %mul3A_262, %add3A_263 : i32
      %get3A_265 = arith.index_cast %add3A_264 : i32 to index
      %get3A_266 = arith.constant 48 : index
      %get3A_267 = tpu.vector_load %arg8[%get3A_265, %get3A_266] {strides = array<i32>} : memref<256x128xf32, #tpu.memory_space<vmem>>, vector<1x16xf32>,
      %get3A_268 = vector.shape_cast %get3A_267 : vector<1x16xf32> to vector<16xf32>
      %add3A_269 = arith.addf %get3A_268, %get3A_246 : vector<16xf32>
      %swap3A_270 = arith.index_cast %add3A_264 : i32 to index
      %swap3A_271 = arith.constant 48 : index
      %swap3A_272 = tpu.vector_load %arg9[%swap3A_270, %swap3A_271] {strides = array<i32>} : memref<256x64xf32, #tpu.memory_space<vmem>>, vector<1x16xf32>,
      %swap3A_273 = vector.shape_cast %swap3A_272 : vector<1x16xf32> to vector<16xf32>
      %swap3A_274 = vector.shape_cast %add3A_269 : vector<16xf32> to vector<1x16xf32>
      tpu.vector_store %arg9[%swap3A_270, %swap3A_271], %swap3A_274 {strides = array<i32>} : memref<256x64xf32, #tpu.memory_space<vmem>>, vector<1x16xf32>,
      %mul3A_275 = arith.constant 4 : i32
      %mul3A_276 = arith.muli %scan3A_64, %mul3A_275 : i32
      %add3A_277 = arith.constant 2 : i32
      %add3A_278 = arith.addi %mul3A_276, %add3A_277 : i32
      %get3A_279 = arith.index_cast %add3A_278 : i32 to index
      %get3A_280 = arith.constant 48 : index
      %get3A_281 = tpu.vector_load %arg8[%get3A_279, %get3A_280] {strides = array<i32>} : memref<256x128xf32, #tpu.memory_space<vmem>>, vector<1x16xf32>,
      %get3A_282 = vector.shape_cast %get3A_281 : vector<1x16xf32> to vector<16xf32>
      %add3A_283 = arith.addf %get3A_282, %get3A_246 : vector<16xf32>
      %swap3A_284 = arith.index_cast %add3A_278 : i32 to index
      %swap3A_285 = arith.constant 48 : index
      %swap3A_286 = tpu.vector_load %arg9[%swap3A_284, %swap3A_285] {strides = array<i32>} : memref<256x64xf32, #tpu.memory_space<vmem>>, vector<1x16xf32>,
      %swap3A_287 = vector.shape_cast %swap3A_286 : vector<1x16xf32> to vector<16xf32>
      %swap3A_288 = vector.shape_cast %add3A_283 : vector<16xf32> to vector<1x16xf32>
      tpu.vector_store %arg9[%swap3A_284, %swap3A_285], %swap3A_288 {strides = array<i32>} : memref<256x64xf32, #tpu.memory_space<vmem>>, vector<1x16xf32>,
      %mul3A_289 = arith.constant 4 : i32
      %mul3A_290 = arith.muli %scan3A_64, %mul3A_289 : i32
      %add3A_291 = arith.constant 3 : i32
      %add3A_292 = arith.addi %mul3A_290, %add3A_291 : i32
      %get3A_293 = arith.index_cast %add3A_292 : i32 to index
      %get3A_294 = arith.constant 48 : index
      %get3A_295 = tpu.vector_load %arg8[%get3A_293, %get3A_294] {strides = array<i32>} : memref<256x128xf32, #tpu.memory_space<vmem>>, vector<1x16xf32>,
      %get3A_296 = vector.shape_cast %get3A_295 : vector<1x16xf32> to vector<16xf32>
      %add3A_297 = arith.addf %get3A_296, %get3A_246 : vector<16xf32>
      %swap3A_298 = arith.index_cast %add3A_292 : i32 to index
      %swap3A_299 = arith.constant 48 : index
      %swap3A_300 = tpu.vector_load %arg9[%swap3A_298, %swap3A_299] {strides = array<i32>} : memref<256x64xf32, #tpu.memory_space<vmem>>, vector<1x16xf32>,
      %swap3A_301 = vector.shape_cast %swap3A_300 : vector<1x16xf32> to vector<16xf32>
      %swap3A_302 = vector.shape_cast %add3A_297 : vector<16xf32> to vector<1x16xf32>
      tpu.vector_store %arg9[%swap3A_298, %swap3A_299], %swap3A_302 {strides = array<i32>} : memref<256x64xf32, #tpu.memory_space<vmem>>, vector<1x16xf32>,
    }
    %scan3A_47 = arith.constant 32 : i32
    %dma_wait3A_48 = arith.constant 1 : i32
    %dma_wait3A_49 = arith.constant 128 : i32
    %dma_wait3A_50 = arith.constant 0 : i32
    %dma_wait3A_51 = tpu.memref_slice %arg8[%dma_wait3A_49, %dma_wait3A_50] : memref<256x128xf32, #tpu.memory_space<vmem>> -> memref<128x128xf32, #tpu.memory_space<vmem>>
    %dma_wait3A_52 = arith.constant 0 : i32
    %dma_wait3A_53 = tpu.memref_slice %arg6[%dma_wait3A_48, %dma_wait3A_52] : memref<2x128xi32, #tpu.memory_space<vmem>> -> memref<1x128xi32, #tpu.memory_space<vmem>>
    %dma_wait3A_54 = tpu.memref_squeeze %dma_wait3A_53 : memref<1x128xi32, #tpu.memory_space<vmem>> -> memref<128xi32, #tpu.memory_space<vmem>>
    %dma_wait3A_55 = arith.constant 0 : i32
    %dma_wait3A_56 = arith.constant 0 : i32
    %dma_wait3A_57 = tpu.memref_slice %arg2[%dma_wait3A_55, %dma_wait3A_56] : memref<8192x128xf32, #tpu.memory_space<hbm>> -> memref<8192x128xf32, #tpu.memory_space<hbm>>
    tpu.wait_indirect_dma semaphore(%arg10 : memref<!tpu.dma_semaphore, #tpu.memory_space<semaphore_mem>>) src(%dma_wait3A_57 : memref<8192x128xf32, #tpu.memory_space<hbm>>) dst(%dma_wait3A_51 : memref<128x128xf32, #tpu.memory_space<vmem>>)
    %scan3A_58 = arith.constant 0 : i32
    %scan3A_59 = arith.constant 32 : i32
    %scan3A_60 = arith.constant 32 : i32
    %scan3A_61 = arith.addi %scan3A_59, %scan3A_60 : i32
    %scan3A_62 = arith.constant 1 : i32
    scf.for %scan3A_64 = %scan3A_59 to %scan3A_61 step %scan3A_62  : i32 {
      %get3A = arith.index_cast %scan3A_64 : i32 to index
      %get3A_65 = arith.constant 0 : index
      %get3A_66 = tpu.vector_load %arg7[%get3A, %get3A_65] {strides = array<i32>} : memref<64x64xf32, #tpu.memory_space<vmem>>, vector<1x16xf32>,
      %get3A_67 = vector.shape_cast %get3A_66 : vector<1x16xf32> to vector<16xf32>
      %mul3A_68 = arith.constant 4 : i32
      %mul3A_69 = arith.muli %scan3A_64, %mul3A_68 : i32
      %add3A_70 = arith.constant 0 : i32
      %add3A_71 = arith.addi %mul3A_69, %add3A_70 : i32
      %get3A_72 = arith.index_cast %add3A_71 : i32 to index
      %get3A_73 = arith.constant 0 : index
      %get3A_74 = tpu.vector_load %arg8[%get3A_72, %get3A_73] {strides = array<i32>} : memref<256x128xf32, #tpu.memory_space<vmem>>, vector<1x16xf32>,
      %get3A_75 = vector.shape_cast %get3A_74 : vector<1x16xf32> to vector<16xf32>
      %add3A_76 = arith.addf %get3A_75, %get3A_67 : vector<16xf32>
      %swap3A = arith.index_cast %add3A_71 : i32 to index
      %swap3A_77 = arith.constant 0 : index
      %swap3A_78 = tpu.vector_load %arg9[%swap3A, %swap3A_77] {strides = array<i32>} : memref<256x64xf32, #tpu.memory_space<vmem>>, vector<1x16xf32>,
      %swap3A_79 = vector.shape_cast %swap3A_78 : vector<1x16xf32> to vector<16xf32>
      %swap3A_80 = vector.shape_cast %add3A_76 : vector<16xf32> to vector<1x16xf32>
      tpu.vector_store %arg9[%swap3A, %swap3A_77], %swap3A_80 {strides = array<i32>} : memref<256x64xf32, #tpu.memory_space<vmem>>, vector<1x16xf32>,
      %mul3A_81 = arith.constant 4 : i32
      %mul3A_82 = arith.muli %scan3A_64, %mul3A_81 : i32
      %add3A_83 = arith.constant 1 : i32
      %add3A_84 = arith.addi %mul3A_82, %add3A_83 : i32
      %get3A_85 = arith.index_cast %add3A_84 : i32 to index
      %get3A_86 = arith.constant 0 : index
      %get3A_87 = tpu.vector_load %arg8[%get3A_85, %get3A_86] {strides = array<i32>} : memref<256x128xf32, #tpu.memory_space<vmem>>, vector<1x16xf32>,
      %get3A_88 = vector.shape_cast %get3A_87 : vector<1x16xf32> to vector<16xf32>
      %add3A_89 = arith.addf %get3A_88, %get3A_67 : vector<16xf32>
      %swap3A_90 = arith.index_cast %add3A_84 : i32 to index
      %swap3A_91 = arith.constant 0 : index
      %swap3A_92 = tpu.vector_load %arg9[%swap3A_90, %swap3A_91] {strides = array<i32>} : memref<256x64xf32, #tpu.memory_space<vmem>>, vector<1x16xf32>,
      %swap3A_93 = vector.shape_cast %swap3A_92 : vector<1x16xf32> to vector<16xf32>
      %swap3A_94 = vector.shape_cast %add3A_89 : vector<16xf32> to vector<1x16xf32>
      tpu.vector_store %arg9[%swap3A_90, %swap3A_91], %swap3A_94 {strides = array<i32>} : memref<256x64xf32, #tpu.memory_space<vmem>>, vector<1x16xf32>,
      %mul3A_95 = arith.constant 4 : i32
      %mul3A_96 = arith.muli %scan3A_64, %mul3A_95 : i32
      %add3A_97 = arith.constant 2 : i32
      %add3A_98 = arith.addi %mul3A_96, %add3A_97 : i32
      %get3A_99 = arith.index_cast %add3A_98 : i32 to index
      %get3A_100 = arith.constant 0 : index
      %get3A_101 = tpu.vector_load %arg8[%get3A_99, %get3A_100] {strides = array<i32>} : memref<256x128xf32, #tpu.memory_space<vmem>>, vector<1x16xf32>,
      %get3A_102 = vector.shape_cast %get3A_101 : vector<1x16xf32> to vector<16xf32>
      %add3A_103 = arith.addf %get3A_102, %get3A_67 : vector<16xf32>
      %swap3A_104 = arith.index_cast %add3A_98 : i32 to index
      %swap3A_105 = arith.constant 0 : index
      %swap3A_106 = tpu.vector_load %arg9[%swap3A_104, %swap3A_105] {strides = array<i32>} : memref<256x64xf32, #tpu.memory_space<vmem>>, vector<1x16xf32>,
      %swap3A_107 = vector.shape_cast %swap3A_106 : vector<1x16xf32> to vector<16xf32>
      %swap3A_108 = vector.shape_cast %add3A_103 : vector<16xf32> to vector<1x16xf32>
      tpu.vector_store %arg9[%swap3A_104, %swap3A_105], %swap3A_108 {strides = array<i32>} : memref<256x64xf32, #tpu.memory_space<vmem>>, vector<1x16xf32>,
      %mul3A_109 = arith.constant 4 : i32
      %mul3A_110 = arith.muli %scan3A_64, %mul3A_109 : i32
      %add3A_111 = arith.constant 3 : i32
      %add3A_112 = arith.addi %mul3A_110, %add3A_111 : i32
      %get3A_113 = arith.index_cast %add3A_112 : i32 to index
      %get3A_114 = arith.constant 0 : index
      %get3A_115 = tpu.vector_load %arg8[%get3A_113, %get3A_114] {strides = array<i32>} : memref<256x128xf32, #tpu.memory_space<vmem>>, vector<1x16xf32>,
      %get3A_116 = vector.shape_cast %get3A_115 : vector<1x16xf32> to vector<16xf32>
      %add3A_117 = arith.addf %get3A_116, %get3A_67 : vector<16xf32>
      %swap3A_118 = arith.index_cast %add3A_112 : i32 to index
      %swap3A_119 = arith.constant 0 : index
      %swap3A_120 = tpu.vector_load %arg9[%swap3A_118, %swap3A_119] {strides = array<i32>} : memref<256x64xf32, #tpu.memory_space<vmem>>, vector<1x16xf32>,
      %swap3A_121 = vector.shape_cast %swap3A_120 : vector<1x16xf32> to vector<16xf32>
      %swap3A_122 = vector.shape_cast %add3A_117 : vector<16xf32> to vector<1x16xf32>
      tpu.vector_store %arg9[%swap3A_118, %swap3A_119], %swap3A_122 {strides = array<i32>} : memref<256x64xf32, #tpu.memory_space<vmem>>, vector<1x16xf32>,
      %get3A_123 = arith.index_cast %scan3A_64 : i32 to index
      %get3A_124 = arith.constant 16 : index
      %get3A_125 = tpu.vector_load %arg7[%get3A_123, %get3A_124] {strides = array<i32>} : memref<64x64xf32, #tpu.memory_space<vmem>>, vector<1x16xf32>,
      %get3A_126 = vector.shape_cast %get3A_125 : vector<1x16xf32> to vector<16xf32>
      %mul3A_127 = arith.constant 4 : i32
      %mul3A_128 = arith.muli %scan3A_64, %mul3A_127 : i32
      %add3A_129 = arith.constant 0 : i32
      %add3A_130 = arith.addi %mul3A_128, %add3A_129 : i32
      %get3A_131 = arith.index_cast %add3A_130 : i32 to index
      %get3A_132 = arith.constant 16 : index
      %get3A_133 = tpu.vector_load %arg8[%get3A_131, %get3A_132] {strides = array<i32>} : memref<256x128xf32, #tpu.memory_space<vmem>>, vector<1x16xf32>,
      %get3A_134 = vector.shape_cast %get3A_133 : vector<1x16xf32> to vector<16xf32>
      %add3A_135 = arith.addf %get3A_134, %get3A_126 : vector<16xf32>
      %swap3A_136 = arith.index_cast %add3A_130 : i32 to index
      %swap3A_137 = arith.constant 16 : index
      %swap3A_138 = tpu.vector_load %arg9[%swap3A_136, %swap3A_137] {strides = array<i32>} : memref<256x64xf32, #tpu.memory_space<vmem>>, vector<1x16xf32>,
      %swap3A_139 = vector.shape_cast %swap3A_138 : vector<1x16xf32> to vector<16xf32>
      %swap3A_140 = vector.shape_cast %add3A_135 : vector<16xf32> to vector<1x16xf32>
      tpu.vector_store %arg9[%swap3A_136, %swap3A_137], %swap3A_140 {strides = array<i32>} : memref<256x64xf32, #tpu.memory_space<vmem>>, vector<1x16xf32>,
      %mul3A_141 = arith.constant 4 : i32
      %mul3A_142 = arith.muli %scan3A_64, %mul3A_141 : i32
      %add3A_143 = arith.constant 1 : i32
      %add3A_144 = arith.addi %mul3A_142, %add3A_143 : i32
      %get3A_145 = arith.index_cast %add3A_144 : i32 to index
      %get3A_146 = arith.constant 16 : index
      %get3A_147 = tpu.vector_load %arg8[%get3A_145, %get3A_146] {strides = array<i32>} : memref<256x128xf32, #tpu.memory_space<vmem>>, vector<1x16xf32>,
      %get3A_148 = vector.shape_cast %get3A_147 : vector<1x16xf32> to vector<16xf32>
      %add3A_149 = arith.addf %get3A_148, %get3A_126 : vector<16xf32>
      %swap3A_150 = arith.index_cast %add3A_144 : i32 to index
      %swap3A_151 = arith.constant 16 : index
      %swap3A_152 = tpu.vector_load %arg9[%swap3A_150, %swap3A_151] {strides = array<i32>} : memref<256x64xf32, #tpu.memory_space<vmem>>, vector<1x16xf32>,
      %swap3A_153 = vector.shape_cast %swap3A_152 : vector<1x16xf32> to vector<16xf32>
      %swap3A_154 = vector.shape_cast %add3A_149 : vector<16xf32> to vector<1x16xf32>
      tpu.vector_store %arg9[%swap3A_150, %swap3A_151], %swap3A_154 {strides = array<i32>} : memref<256x64xf32, #tpu.memory_space<vmem>>, vector<1x16xf32>,
      %mul3A_155 = arith.constant 4 : i32
      %mul3A_156 = arith.muli %scan3A_64, %mul3A_155 : i32
      %add3A_157 = arith.constant 2 : i32
      %add3A_158 = arith.addi %mul3A_156, %add3A_157 : i32
      %get3A_159 = arith.index_cast %add3A_158 : i32 to index
      %get3A_160 = arith.constant 16 : index
      %get3A_161 = tpu.vector_load %arg8[%get3A_159, %get3A_160] {strides = array<i32>} : memref<256x128xf32, #tpu.memory_space<vmem>>, vector<1x16xf32>,
      %get3A_162 = vector.shape_cast %get3A_161 : vector<1x16xf32> to vector<16xf32>
      %add3A_163 = arith.addf %get3A_162, %get3A_126 : vector<16xf32>
      %swap3A_164 = arith.index_cast %add3A_158 : i32 to index
      %swap3A_165 = arith.constant 16 : index
      %swap3A_166 = tpu.vector_load %arg9[%swap3A_164, %swap3A_165] {strides = array<i32>} : memref<256x64xf32, #tpu.memory_space<vmem>>, vector<1x16xf32>,
      %swap3A_167 = vector.shape_cast %swap3A_166 : vector<1x16xf32> to vector<16xf32>
      %swap3A_168 = vector.shape_cast %add3A_163 : vector<16xf32> to vector<1x16xf32>
      tpu.vector_store %arg9[%swap3A_164, %swap3A_165], %swap3A_168 {strides = array<i32>} : memref<256x64xf32, #tpu.memory_space<vmem>>, vector<1x16xf32>,
      %mul3A_169 = arith.constant 4 : i32
      %mul3A_170 = arith.muli %scan3A_64, %mul3A_169 : i32
      %add3A_171 = arith.constant 3 : i32
      %add3A_172 = arith.addi %mul3A_170, %add3A_171 : i32
      %get3A_173 = arith.index_cast %add3A_172 : i32 to index
      %get3A_174 = arith.constant 16 : index
      %get3A_175 = tpu.vector_load %arg8[%get3A_173, %get3A_174] {strides = array<i32>} : memref<256x128xf32, #tpu.memory_space<vmem>>, vector<1x16xf32>,
      %get3A_176 = vector.shape_cast %get3A_175 : vector<1x16xf32> to vector<16xf32>
      %add3A_177 = arith.addf %get3A_176, %get3A_126 : vector<16xf32>
      %swap3A_178 = arith.index_cast %add3A_172 : i32 to index
      %swap3A_179 = arith.constant 16 : index
      %swap3A_180 = tpu.vector_load %arg9[%swap3A_178, %swap3A_179] {strides = array<i32>} : memref<256x64xf32, #tpu.memory_space<vmem>>, vector<1x16xf32>,
      %swap3A_181 = vector.shape_cast %swap3A_180 : vector<1x16xf32> to vector<16xf32>
      %swap3A_182 = vector.shape_cast %add3A_177 : vector<16xf32> to vector<1x16xf32>
      tpu.vector_store %arg9[%swap3A_178, %swap3A_179], %swap3A_182 {strides = array<i32>} : memref<256x64xf32, #tpu.memory_space<vmem>>, vector<1x16xf32>,
      %get3A_183 = arith.index_cast %scan3A_64 : i32 to index
      %get3A_184 = arith.constant 32 : index
      %get3A_185 = tpu.vector_load %arg7[%get3A_183, %get3A_184] {strides = array<i32>} : memref<64x64xf32, #tpu.memory_space<vmem>>, vector<1x16xf32>,
      %get3A_186 = vector.shape_cast %get3A_185 : vector<1x16xf32> to vector<16xf32>
      %mul3A_187 = arith.constant 4 : i32
      %mul3A_188 = arith.muli %scan3A_64, %mul3A_187 : i32
      %add3A_189 = arith.constant 0 : i32
      %add3A_190 = arith.addi %mul3A_188, %add3A_189 : i32
      %get3A_191 = arith.index_cast %add3A_190 : i32 to index
      %get3A_192 = arith.constant 32 : index
      %get3A_193 = tpu.vector_load %arg8[%get3A_191, %get3A_192] {strides = array<i32>} : memref<256x128xf32, #tpu.memory_space<vmem>>, vector<1x16xf32>,
      %get3A_194 = vector.shape_cast %get3A_193 : vector<1x16xf32> to vector<16xf32>
      %add3A_195 = arith.addf %get3A_194, %get3A_186 : vector<16xf32>
      %swap3A_196 = arith.index_cast %add3A_190 : i32 to index
      %swap3A_197 = arith.constant 32 : index
      %swap3A_198 = tpu.vector_load %arg9[%swap3A_196, %swap3A_197] {strides = array<i32>} : memref<256x64xf32, #tpu.memory_space<vmem>>, vector<1x16xf32>,
      %swap3A_199 = vector.shape_cast %swap3A_198 : vector<1x16xf32> to vector<16xf32>
      %swap3A_200 = vector.shape_cast %add3A_195 : vector<16xf32> to vector<1x16xf32>
      tpu.vector_store %arg9[%swap3A_196, %swap3A_197], %swap3A_200 {strides = array<i32>} : memref<256x64xf32, #tpu.memory_space<vmem>>, vector<1x16xf32>,
      %mul3A_201 = arith.constant 4 : i32
      %mul3A_202 = arith.muli %scan3A_64, %mul3A_201 : i32
      %add3A_203 = arith.constant 1 : i32
      %add3A_204 = arith.addi %mul3A_202, %add3A_203 : i32
      %get3A_205 = arith.index_cast %add3A_204 : i32 to index
      %get3A_206 = arith.constant 32 : index
      %get3A_207 = tpu.vector_load %arg8[%get3A_205, %get3A_206] {strides = array<i32>} : memref<256x128xf32, #tpu.memory_space<vmem>>, vector<1x16xf32>,
      %get3A_208 = vector.shape_cast %get3A_207 : vector<1x16xf32> to vector<16xf32>
      %add3A_209 = arith.addf %get3A_208, %get3A_186 : vector<16xf32>
      %swap3A_210 = arith.index_cast %add3A_204 : i32 to index
      %swap3A_211 = arith.constant 32 : index
      %swap3A_212 = tpu.vector_load %arg9[%swap3A_210, %swap3A_211] {strides = array<i32>} : memref<256x64xf32, #tpu.memory_space<vmem>>, vector<1x16xf32>,
      %swap3A_213 = vector.shape_cast %swap3A_212 : vector<1x16xf32> to vector<16xf32>
      %swap3A_214 = vector.shape_cast %add3A_209 : vector<16xf32> to vector<1x16xf32>
      tpu.vector_store %arg9[%swap3A_210, %swap3A_211], %swap3A_214 {strides = array<i32>} : memref<256x64xf32, #tpu.memory_space<vmem>>, vector<1x16xf32>,
      %mul3A_215 = arith.constant 4 : i32
      %mul3A_216 = arith.muli %scan3A_64, %mul3A_215 : i32
      %add3A_217 = arith.constant 2 : i32
      %add3A_218 = arith.addi %mul3A_216, %add3A_217 : i32
      %get3A_219 = arith.index_cast %add3A_218 : i32 to index
      %get3A_220 = arith.constant 32 : index
      %get3A_221 = tpu.vector_load %arg8[%get3A_219, %get3A_220] {strides = array<i32>} : memref<256x128xf32, #tpu.memory_space<vmem>>, vector<1x16xf32>,
      %get3A_222 = vector.shape_cast %get3A_221 : vector<1x16xf32> to vector<16xf32>
      %add3A_223 = arith.addf %get3A_222, %get3A_186 : vector<16xf32>
      %swap3A_224 = arith.index_cast %add3A_218 : i32 to index
      %swap3A_225 = arith.constant 32 : index
      %swap3A_226 = tpu.vector_load %arg9[%swap3A_224, %swap3A_225] {strides = array<i32>} : memref<256x64xf32, #tpu.memory_space<vmem>>, vector<1x16xf32>,
      %swap3A_227 = vector.shape_cast %swap3A_226 : vector<1x16xf32> to vector<16xf32>
      %swap3A_228 = vector.shape_cast %add3A_223 : vector<16xf32> to vector<1x16xf32>
      tpu.vector_store %arg9[%swap3A_224, %swap3A_225], %swap3A_228 {strides = array<i32>} : memref<256x64xf32, #tpu.memory_space<vmem>>, vector<1x16xf32>,
      %mul3A_229 = arith.constant 4 : i32
      %mul3A_230 = arith.muli %scan3A_64, %mul3A_229 : i32
      %add3A_231 = arith.constant 3 : i32
      %add3A_232 = arith.addi %mul3A_230, %add3A_231 : i32
      %get3A_233 = arith.index_cast %add3A_232 : i32 to index
      %get3A_234 = arith.constant 32 : index
      %get3A_235 = tpu.vector_load %arg8[%get3A_233, %get3A_234] {strides = array<i32>} : memref<256x128xf32, #tpu.memory_space<vmem>>, vector<1x16xf32>,
      %get3A_236 = vector.shape_cast %get3A_235 : vector<1x16xf32> to vector<16xf32>
      %add3A_237 = arith.addf %get3A_236, %get3A_186 : vector<16xf32>
      %swap3A_238 = arith.index_cast %add3A_232 : i32 to index
      %swap3A_239 = arith.constant 32 : index
      %swap3A_240 = tpu.vector_load %arg9[%swap3A_238, %swap3A_239] {strides = array<i32>} : memref<256x64xf32, #tpu.memory_space<vmem>>, vector<1x16xf32>,
      %swap3A_241 = vector.shape_cast %swap3A_240 : vector<1x16xf32> to vector<16xf32>
      %swap3A_242 = vector.shape_cast %add3A_237 : vector<16xf32> to vector<1x16xf32>
      tpu.vector_store %arg9[%swap3A_238, %swap3A_239], %swap3A_242 {strides = array<i32>} : memref<256x64xf32, #tpu.memory_space<vmem>>, vector<1x16xf32>,
      %get3A_243 = arith.index_cast %scan3A_64 : i32 to index
      %get3A_244 = arith.constant 48 : index
      %get3A_245 = tpu.vector_load %arg7[%get3A_243, %get3A_244] {strides = array<i32>} : memref<64x64xf32, #tpu.memory_space<vmem>>, vector<1x16xf32>,
      %get3A_246 = vector.shape_cast %get3A_245 : vector<1x16xf32> to vector<16xf32>
      %mul3A_247 = arith.constant 4 : i32
      %mul3A_248 = arith.muli %scan3A_64, %mul3A_247 : i32
      %add3A_249 = arith.constant 0 : i32
      %add3A_250 = arith.addi %mul3A_248, %add3A_249 : i32
      %get3A_251 = arith.index_cast %add3A_250 : i32 to index
      %get3A_252 = arith.constant 48 : index
      %get3A_253 = tpu.vector_load %arg8[%get3A_251, %get3A_252] {strides = array<i32>} : memref<256x128xf32, #tpu.memory_space<vmem>>, vector<1x16xf32>,
      %get3A_254 = vector.shape_cast %get3A_253 : vector<1x16xf32> to vector<16xf32>
      %add3A_255 = arith.addf %get3A_254, %get3A_246 : vector<16xf32>
      %swap3A_256 = arith.index_cast %add3A_250 : i32 to index
      %swap3A_257 = arith.constant 48 : index
      %swap3A_258 = tpu.vector_load %arg9[%swap3A_256, %swap3A_257] {strides = array<i32>} : memref<256x64xf32, #tpu.memory_space<vmem>>, vector<1x16xf32>,
      %swap3A_259 = vector.shape_cast %swap3A_258 : vector<1x16xf32> to vector<16xf32>
      %swap3A_260 = vector.shape_cast %add3A_255 : vector<16xf32> to vector<1x16xf32>
      tpu.vector_store %arg9[%swap3A_256, %swap3A_257], %swap3A_260 {strides = array<i32>} : memref<256x64xf32, #tpu.memory_space<vmem>>, vector<1x16xf32>,
      %mul3A_261 = arith.constant 4 : i32
      %mul3A_262 = arith.muli %scan3A_64, %mul3A_261 : i32
      %add3A_263 = arith.constant 1 : i32
      %add3A_264 = arith.addi %mul3A_262, %add3A_263 : i32
      %get3A_265 = arith.index_cast %add3A_264 : i32 to index
      %get3A_266 = arith.constant 48 : index
      %get3A_267 = tpu.vector_load %arg8[%get3A_265, %get3A_266] {strides = array<i32>} : memref<256x128xf32, #tpu.memory_space<vmem>>, vector<1x16xf32>,
      %get3A_268 = vector.shape_cast %get3A_267 : vector<1x16xf32> to vector<16xf32>
      %add3A_269 = arith.addf %get3A_268, %get3A_246 : vector<16xf32>
      %swap3A_270 = arith.index_cast %add3A_264 : i32 to index
      %swap3A_271 = arith.constant 48 : index
      %swap3A_272 = tpu.vector_load %arg9[%swap3A_270, %swap3A_271] {strides = array<i32>} : memref<256x64xf32, #tpu.memory_space<vmem>>, vector<1x16xf32>,
      %swap3A_273 = vector.shape_cast %swap3A_272 : vector<1x16xf32> to vector<16xf32>
      %swap3A_274 = vector.shape_cast %add3A_269 : vector<16xf32> to vector<1x16xf32>
      tpu.vector_store %arg9[%swap3A_270, %swap3A_271], %swap3A_274 {strides = array<i32>} : memref<256x64xf32, #tpu.memory_space<vmem>>, vector<1x16xf32>,
      %mul3A_275 = arith.constant 4 : i32
      %mul3A_276 = arith.muli %scan3A_64, %mul3A_275 : i32
      %add3A_277 = arith.constant 2 : i32
      %add3A_278 = arith.addi %mul3A_276, %add3A_277 : i32
      %get3A_279 = arith.index_cast %add3A_278 : i32 to index
      %get3A_280 = arith.constant 48 : index
      %get3A_281 = tpu.vector_load %arg8[%get3A_279, %get3A_280] {strides = array<i32>} : memref<256x128xf32, #tpu.memory_space<vmem>>, vector<1x16xf32>,
      %get3A_282 = vector.shape_cast %get3A_281 : vector<1x16xf32> to vector<16xf32>
      %add3A_283 = arith.addf %get3A_282, %get3A_246 : vector<16xf32>
      %swap3A_284 = arith.index_cast %add3A_278 : i32 to index
      %swap3A_285 = arith.constant 48 : index
      %swap3A_286 = tpu.vector_load %arg9[%swap3A_284, %swap3A_285] {strides = array<i32>} : memref<256x64xf32, #tpu.memory_space<vmem>>, vector<1x16xf32>,
      %swap3A_287 = vector.shape_cast %swap3A_286 : vector<1x16xf32> to vector<16xf32>
      %swap3A_288 = vector.shape_cast %add3A_283 : vector<16xf32> to vector<1x16xf32>
      tpu.vector_store %arg9[%swap3A_284, %swap3A_285], %swap3A_288 {strides = array<i32>} : memref<256x64xf32, #tpu.memory_space<vmem>>, vector<1x16xf32>,
      %mul3A_289 = arith.constant 4 : i32
      %mul3A_290 = arith.muli %scan3A_64, %mul3A_289 : i32
      %add3A_291 = arith.constant 3 : i32
      %add3A_292 = arith.addi %mul3A_290, %add3A_291 : i32
      %get3A_293 = arith.index_cast %add3A_292 : i32 to index
      %get3A_294 = arith.constant 48 : index
      %get3A_295 = tpu.vector_load %arg8[%get3A_293, %get3A_294] {strides = array<i32>} : memref<256x128xf32, #tpu.memory_space<vmem>>, vector<1x16xf32>,
      %get3A_296 = vector.shape_cast %get3A_295 : vector<1x16xf32> to vector<16xf32>
      %add3A_297 = arith.addf %get3A_296, %get3A_246 : vector<16xf32>
      %swap3A_298 = arith.index_cast %add3A_292 : i32 to index
      %swap3A_299 = arith.constant 48 : index
      %swap3A_300 = tpu.vector_load %arg9[%swap3A_298, %swap3A_299] {strides = array<i32>} : memref<256x64xf32, #tpu.memory_space<vmem>>, vector<1x16xf32>,
      %swap3A_301 = vector.shape_cast %swap3A_300 : vector<1x16xf32> to vector<16xf32>
      %swap3A_302 = vector.shape_cast %add3A_297 : vector<16xf32> to vector<1x16xf32>
      tpu.vector_store %arg9[%swap3A_298, %swap3A_299], %swap3A_302 {strides = array<i32>} : memref<256x64xf32, #tpu.memory_space<vmem>>, vector<1x16xf32>,
    }
    %scan3A_63 = arith.constant 32 : i32
    "tpu.region"() ({
      %run_scoped3A = tpu.sem_alloc : memref<!tpu.dma_semaphore, #tpu.memory_space<semaphore_mem>>
      %dma_start3A_64 = arith.constant 0 : i32
      %dma_start3A_65 = tpu.memref_slice %arg5[%mul3A_2, %dma_start3A_64] : memref<8192x64xf32, #tpu.memory_space<hbm>> -> memref<256x64xf32, #tpu.memory_space<hbm>>
      %dma_start3A_66 = arith.constant 0 : i32
      %dma_start3A_67 = tpu.memref_slice %arg5[%mul3A_2, %dma_start3A_66] : memref<8192x64xf32, #tpu.memory_space<hbm>> -> memref<256x64xf32, #tpu.memory_space<hbm>>
      tpu.enqueue_dma source(%arg9 : memref<256x64xf32, #tpu.memory_space<vmem>>) target(%dma_start3A_67 : memref<256x64xf32, #tpu.memory_space<hbm>>) target_semaphore(%run_scoped3A : memref<!tpu.dma_semaphore, #tpu.memory_space<semaphore_mem>>)
      %dma_wait3A_68 = arith.constant 0 : i32
      %dma_wait3A_69 = tpu.memref_slice %arg5[%mul3A_2, %dma_wait3A_68] : memref<8192x64xf32, #tpu.memory_space<hbm>> -> memref<256x64xf32, #tpu.memory_space<hbm>>
      %dma_wait3A_70 = arith.constant 0 : i32
      %dma_wait3A_71 = tpu.memref_slice %arg5[%mul3A_2, %dma_wait3A_70] : memref<8192x64xf32, #tpu.memory_space<hbm>> -> memref<256x64xf32, #tpu.memory_space<hbm>>
      tpu.wait_dma2 semaphore(%run_scoped3A : memref<!tpu.dma_semaphore, #tpu.memory_space<semaphore_mem>>) src(%arg9 : memref<256x64xf32, #tpu.memory_space<vmem>>) dst(%dma_wait3A_71 : memref<256x64xf32, #tpu.memory_space<hbm>>)
      tpu.yield
    }) : () -> ()
    return
  }
}

module attributes {stable_mosaic.version = 14 : i64} {
  func.func @_argmin_body(%arg0: i32, %arg1: memref<2048x64xf32, #tpu.memory_space<vmem>>, %arg2: memref<8192x64xf32, #tpu.memory_space<vmem>>, %arg3: memref<2048x1xi32, #tpu.memory_space<vmem>>, %arg4: memref<2048x512xf32, #tpu.memory_space<vmem>>, %arg5: memref<8192x72xf32, #tpu.memory_space<vmem>>) attributes {dimension_semantics = [#tpu.dimension_semantics<arbitrary>], iteration_bounds = array<i64: 4>, scalar_prefetch = 0 : i64, scratch_operands = 2 : i64, tpu.core_type = #tpu.core_type<tc>, window_params = [{transform_indices = @transform_0, window_bounds = array<i64: 2048, 64>}, {pipeline_mode = #tpu.pipeline_mode<synchronous>, transform_indices = @transform_1, window_bounds = array<i64: 8192, 64>}, {transform_indices = @transform_2, window_bounds = array<i64: 2048, 1>}]} {
    %eq3A = arith.constant 0 : i32
    %eq3A_0 = arith.cmpi eq, %arg0, %eq3A : i32
    %convert_element_type3A = arith.extui %eq3A_0 : i1 to i32
    %cond3A = arith.constant 0 : i32
    %cond3A_1 = arith.cmpi ne, %convert_element_type3A, %cond3A : i32
    scf.if %cond3A_1 {
      %iota3A = tpu.iota {dimensions = array<i32: 1>} : vector<2048x512xi32>
      %convert_element_type3A_396 = arith.sitofp %iota3A : vector<2048x512xi32> to vector<2048x512xf32>
      %swap3A_397 = arith.constant 0 : index
      %swap3A_398 = arith.constant 0 : index
      %swap3A_399 = vector.load %arg4[%swap3A_397, %swap3A_398] : memref<2048x512xf32, #tpu.memory_space<vmem>>, vector<2048x512xf32>
      tpu.vector_store %arg4[%swap3A_397, %swap3A_398], %convert_element_type3A_396 {strides = array<i32>} : memref<2048x512xf32, #tpu.memory_space<vmem>>, vector<2048x512xf32>,
      %get3A_400 = arith.constant 0 : index
      %get3A_401 = arith.constant 0 : index
      %get3A_402 = vector.load %arg2[%get3A_400, %get3A_401] : memref<8192x64xf32, #tpu.memory_space<vmem>>, vector<8192x64xf32>
      %mul3A_403 = arith.mulf %get3A_402, %get3A_402 : vector<8192x64xf32>
      %reduce_sum3A = arith.constant dense<0.000000e+00> : vector<8192xf32>
      %reduce_sum3A_404 = vector.multi_reduction <add>, %mul3A_403, %reduce_sum3A [1] : vector<8192x64xf32> to vector<8192xf32>
      %broadcast_in_dim3A_405 = vector.shape_cast %reduce_sum3A_404 : vector<8192xf32> to vector<8192x1xf32>
      %convert_element_type3A_406 = arith.truncf %broadcast_in_dim3A_405 : vector<8192x1xf32> to vector<8192x1xbf16>
      %convert_element_type3A_407 = arith.extf %convert_element_type3A_406 : vector<8192x1xbf16> to vector<8192x1xf32>
      %sub3A = arith.subf %broadcast_in_dim3A_405, %convert_element_type3A_407 : vector<8192x1xf32>
      %broadcast_in_dim3A_408 = arith.constant 0.000000e+00 : f32
      %broadcast_in_dim3A_409 = vector.broadcast %broadcast_in_dim3A_408 : f32 to vector<8192x6xf32>
      %concatenate3A_410 = tpu.concatenate %get3A_402, %convert_element_type3A_407, %sub3A, %broadcast_in_dim3A_409 in 1 : vector<8192x64xf32>, vector<8192x1xf32>, vector<8192x1xf32>, vector<8192x6xf32> -> vector<8192x72xf32>
      %swap3A_411 = arith.constant 0 : index
      %swap3A_412 = arith.constant 0 : index
      %swap3A_413 = vector.load %arg5[%swap3A_411, %swap3A_412] : memref<8192x72xf32, #tpu.memory_space<vmem>>, vector<8192x72xf32>
      tpu.vector_store %arg5[%swap3A_411, %swap3A_412], %concatenate3A_410 {strides = array<i32>} : memref<8192x72xf32, #tpu.memory_space<vmem>>, vector<8192x72xf32>,
    } else {
    }
    %get3A = arith.constant 0 : index
    %get3A_2 = arith.constant 0 : index
    %get3A_3 = vector.load %arg1[%get3A, %get3A_2] : memref<2048x64xf32, #tpu.memory_space<vmem>>, vector<2048x64xf32>
    %mul3A = arith.constant -2.000000e+00 : f32
    %mul3A_4 = vector.broadcast %mul3A : f32 to vector<2048x64xf32>
    %mul3A_5 = arith.mulf %get3A_3, %mul3A_4 : vector<2048x64xf32>
    %broadcast_in_dim3A = arith.constant 1.000000e+00 : f32
    %broadcast_in_dim3A_6 = vector.broadcast %broadcast_in_dim3A : f32 to vector<2048x2xf32>
    %broadcast_in_dim3A_7 = arith.constant 0.000000e+00 : f32
    %broadcast_in_dim3A_8 = vector.broadcast %broadcast_in_dim3A_7 : f32 to vector<2048x6xf32>
    %concatenate3A = tpu.concatenate %mul3A_5, %broadcast_in_dim3A_6, %broadcast_in_dim3A_8 in 1 : vector<2048x64xf32>, vector<2048x2xf32>, vector<2048x6xf32> -> vector<2048x72xf32>
    %get3A_9 = arith.constant 0 : index
    %get3A_10 = arith.constant 0 : index
    %get3A_11 = vector.load %arg4[%get3A_9, %get3A_10] : memref<2048x512xf32, #tpu.memory_space<vmem>>, vector<2048x512xf32>
    %broadcast_in_dim3A_12 = arith.constant 0x7F800000 : f32
    %broadcast_in_dim3A_13 = vector.broadcast %broadcast_in_dim3A_12 : f32 to vector<2048x1xf32>
    %broadcast_in_dim3A_14 = arith.constant 0.000000e+00 : f32
    %broadcast_in_dim3A_15 = vector.broadcast %broadcast_in_dim3A_14 : f32 to vector<2048x1xf32>
    %get3A_16 = arith.constant 0 : index
    %get3A_17 = arith.constant 0 : index
    %get3A_18 = vector.load %arg5[%get3A_16, %get3A_17] : memref<8192x72xf32, #tpu.memory_space<vmem>>, vector<512x72xf32>
    %dot_general3A = arith.constant dense<0.000000e+00> : vector<2048x512xf32>
    %dot_general3A_19 = tpu.matmul %concatenate3A, %get3A_18, %dot_general3A {dimension_numbers = #tpu.dot_dimension_numbers<[1], [1], [0], [0], [0, 0, 1, 0], [], []>, transpose_lhs_hint = false} : vector<2048x72xf32>, vector<512x72xf32>, vector<2048x512xf32> -> vector<2048x512xf32>
    %reduce_min3A = arith.constant dense<0x7F800000> : vector<2048xf32>
    %reduce_min3A_20 = vector.multi_reduction <minimumf>, %dot_general3A_19, %reduce_min3A [1] : vector<2048x512xf32> to vector<2048xf32>
    %broadcast_in_dim3A_21 = vector.shape_cast %reduce_min3A_20 : vector<2048xf32> to vector<2048x1xf32>
    %eq3A_22 = vector.broadcast %broadcast_in_dim3A_21 : vector<2048x1xf32> to vector<2048x512xf32>
    %eq3A_23 = arith.cmpf oeq, %dot_general3A_19, %eq3A_22 : vector<2048x512xf32>
    %jit3A = arith.constant 0x7F800000 : f32
    %broadcast_in_dim3A_24 = vector.broadcast %jit3A : f32 to vector<2048x512xf32>
    %select_n3A = arith.select %eq3A_23, %get3A_11, %broadcast_in_dim3A_24 : vector<2048x512xi1>, vector<2048x512xf32>
    %reduce_min3A_25 = arith.constant dense<0x7F800000> : vector<2048xf32>
    %reduce_min3A_26 = vector.multi_reduction <minimumf>, %select_n3A, %reduce_min3A_25 [1] : vector<2048x512xf32> to vector<2048xf32>
    %broadcast_in_dim3A_27 = vector.shape_cast %reduce_min3A_26 : vector<2048xf32> to vector<2048x1xf32>
    %lt3A = arith.cmpf olt, %broadcast_in_dim3A_21, %broadcast_in_dim3A_13 : vector<2048x1xf32>
    %mul3A_28 = arith.constant 5.120000e+02 : f32
    %mul3A_29 = arith.constant 0.000000e+00 : f32
    %mul3A_30 = arith.mulf %mul3A_28, %mul3A_29 : f32
    %add3A = vector.broadcast %mul3A_30 : f32 to vector<2048x1xf32>
    %add3A_31 = arith.addf %broadcast_in_dim3A_27, %add3A : vector<2048x1xf32>
    %select_n3A_32 = arith.select %lt3A, %add3A_31, %broadcast_in_dim3A_15 : vector<2048x1xi1>, vector<2048x1xf32>
    %select_n3A_33 = arith.select %lt3A, %broadcast_in_dim3A_21, %broadcast_in_dim3A_13 : vector<2048x1xi1>, vector<2048x1xf32>
    %get3A_34 = arith.constant 512 : index
    %get3A_35 = arith.constant 0 : index
    %get3A_36 = vector.load %arg5[%get3A_34, %get3A_35] : memref<8192x72xf32, #tpu.memory_space<vmem>>, vector<512x72xf32>
    %dot_general3A_37 = arith.constant dense<0.000000e+00> : vector<2048x512xf32>
    %dot_general3A_38 = tpu.matmul %concatenate3A, %get3A_36, %dot_general3A_37 {dimension_numbers = #tpu.dot_dimension_numbers<[1], [1], [0], [0], [0, 0, 1, 0], [], []>, transpose_lhs_hint = false} : vector<2048x72xf32>, vector<512x72xf32>, vector<2048x512xf32> -> vector<2048x512xf32>
    %reduce_min3A_39 = arith.constant dense<0x7F800000> : vector<2048xf32>
    %reduce_min3A_40 = vector.multi_reduction <minimumf>, %dot_general3A_38, %reduce_min3A_39 [1] : vector<2048x512xf32> to vector<2048xf32>
    %broadcast_in_dim3A_41 = vector.shape_cast %reduce_min3A_40 : vector<2048xf32> to vector<2048x1xf32>
    %eq3A_42 = vector.broadcast %broadcast_in_dim3A_41 : vector<2048x1xf32> to vector<2048x512xf32>
    %eq3A_43 = arith.cmpf oeq, %dot_general3A_38, %eq3A_42 : vector<2048x512xf32>
    %jit3A_44 = arith.constant 0x7F800000 : f32
    %broadcast_in_dim3A_45 = vector.broadcast %jit3A_44 : f32 to vector<2048x512xf32>
    %select_n3A_46 = arith.select %eq3A_43, %get3A_11, %broadcast_in_dim3A_45 : vector<2048x512xi1>, vector<2048x512xf32>
    %reduce_min3A_47 = arith.constant dense<0x7F800000> : vector<2048xf32>
    %reduce_min3A_48 = vector.multi_reduction <minimumf>, %select_n3A_46, %reduce_min3A_47 [1] : vector<2048x512xf32> to vector<2048xf32>
    %broadcast_in_dim3A_49 = vector.shape_cast %reduce_min3A_48 : vector<2048xf32> to vector<2048x1xf32>
    %lt3A_50 = arith.cmpf olt, %broadcast_in_dim3A_41, %select_n3A_33 : vector<2048x1xf32>
    %mul3A_51 = arith.constant 5.120000e+02 : f32
    %mul3A_52 = arith.constant 1.000000e+00 : f32
    %mul3A_53 = arith.mulf %mul3A_51, %mul3A_52 : f32
    %add3A_54 = vector.broadcast %mul3A_53 : f32 to vector<2048x1xf32>
    %add3A_55 = arith.addf %broadcast_in_dim3A_49, %add3A_54 : vector<2048x1xf32>
    %select_n3A_56 = arith.select %lt3A_50, %add3A_55, %select_n3A_32 : vector<2048x1xi1>, vector<2048x1xf32>
    %select_n3A_57 = arith.select %lt3A_50, %broadcast_in_dim3A_41, %select_n3A_33 : vector<2048x1xi1>, vector<2048x1xf32>
    %get3A_58 = arith.constant 1024 : index
    %get3A_59 = arith.constant 0 : index
    %get3A_60 = vector.load %arg5[%get3A_58, %get3A_59] : memref<8192x72xf32, #tpu.memory_space<vmem>>, vector<512x72xf32>
    %dot_general3A_61 = arith.constant dense<0.000000e+00> : vector<2048x512xf32>
    %dot_general3A_62 = tpu.matmul %concatenate3A, %get3A_60, %dot_general3A_61 {dimension_numbers = #tpu.dot_dimension_numbers<[1], [1], [0], [0], [0, 0, 1, 0], [], []>, transpose_lhs_hint = false} : vector<2048x72xf32>, vector<512x72xf32>, vector<2048x512xf32> -> vector<2048x512xf32>
    %reduce_min3A_63 = arith.constant dense<0x7F800000> : vector<2048xf32>
    %reduce_min3A_64 = vector.multi_reduction <minimumf>, %dot_general3A_62, %reduce_min3A_63 [1] : vector<2048x512xf32> to vector<2048xf32>
    %broadcast_in_dim3A_65 = vector.shape_cast %reduce_min3A_64 : vector<2048xf32> to vector<2048x1xf32>
    %eq3A_66 = vector.broadcast %broadcast_in_dim3A_65 : vector<2048x1xf32> to vector<2048x512xf32>
    %eq3A_67 = arith.cmpf oeq, %dot_general3A_62, %eq3A_66 : vector<2048x512xf32>
    %jit3A_68 = arith.constant 0x7F800000 : f32
    %broadcast_in_dim3A_69 = vector.broadcast %jit3A_68 : f32 to vector<2048x512xf32>
    %select_n3A_70 = arith.select %eq3A_67, %get3A_11, %broadcast_in_dim3A_69 : vector<2048x512xi1>, vector<2048x512xf32>
    %reduce_min3A_71 = arith.constant dense<0x7F800000> : vector<2048xf32>
    %reduce_min3A_72 = vector.multi_reduction <minimumf>, %select_n3A_70, %reduce_min3A_71 [1] : vector<2048x512xf32> to vector<2048xf32>
    %broadcast_in_dim3A_73 = vector.shape_cast %reduce_min3A_72 : vector<2048xf32> to vector<2048x1xf32>
    %lt3A_74 = arith.cmpf olt, %broadcast_in_dim3A_65, %select_n3A_57 : vector<2048x1xf32>
    %mul3A_75 = arith.constant 5.120000e+02 : f32
    %mul3A_76 = arith.constant 2.000000e+00 : f32
    %mul3A_77 = arith.mulf %mul3A_75, %mul3A_76 : f32
    %add3A_78 = vector.broadcast %mul3A_77 : f32 to vector<2048x1xf32>
    %add3A_79 = arith.addf %broadcast_in_dim3A_73, %add3A_78 : vector<2048x1xf32>
    %select_n3A_80 = arith.select %lt3A_74, %add3A_79, %select_n3A_56 : vector<2048x1xi1>, vector<2048x1xf32>
    %select_n3A_81 = arith.select %lt3A_74, %broadcast_in_dim3A_65, %select_n3A_57 : vector<2048x1xi1>, vector<2048x1xf32>
    %get3A_82 = arith.constant 1536 : index
    %get3A_83 = arith.constant 0 : index
    %get3A_84 = vector.load %arg5[%get3A_82, %get3A_83] : memref<8192x72xf32, #tpu.memory_space<vmem>>, vector<512x72xf32>
    %dot_general3A_85 = arith.constant dense<0.000000e+00> : vector<2048x512xf32>
    %dot_general3A_86 = tpu.matmul %concatenate3A, %get3A_84, %dot_general3A_85 {dimension_numbers = #tpu.dot_dimension_numbers<[1], [1], [0], [0], [0, 0, 1, 0], [], []>, transpose_lhs_hint = false} : vector<2048x72xf32>, vector<512x72xf32>, vector<2048x512xf32> -> vector<2048x512xf32>
    %reduce_min3A_87 = arith.constant dense<0x7F800000> : vector<2048xf32>
    %reduce_min3A_88 = vector.multi_reduction <minimumf>, %dot_general3A_86, %reduce_min3A_87 [1] : vector<2048x512xf32> to vector<2048xf32>
    %broadcast_in_dim3A_89 = vector.shape_cast %reduce_min3A_88 : vector<2048xf32> to vector<2048x1xf32>
    %eq3A_90 = vector.broadcast %broadcast_in_dim3A_89 : vector<2048x1xf32> to vector<2048x512xf32>
    %eq3A_91 = arith.cmpf oeq, %dot_general3A_86, %eq3A_90 : vector<2048x512xf32>
    %jit3A_92 = arith.constant 0x7F800000 : f32
    %broadcast_in_dim3A_93 = vector.broadcast %jit3A_92 : f32 to vector<2048x512xf32>
    %select_n3A_94 = arith.select %eq3A_91, %get3A_11, %broadcast_in_dim3A_93 : vector<2048x512xi1>, vector<2048x512xf32>
    %reduce_min3A_95 = arith.constant dense<0x7F800000> : vector<2048xf32>
    %reduce_min3A_96 = vector.multi_reduction <minimumf>, %select_n3A_94, %reduce_min3A_95 [1] : vector<2048x512xf32> to vector<2048xf32>
    %broadcast_in_dim3A_97 = vector.shape_cast %reduce_min3A_96 : vector<2048xf32> to vector<2048x1xf32>
    %lt3A_98 = arith.cmpf olt, %broadcast_in_dim3A_89, %select_n3A_81 : vector<2048x1xf32>
    %mul3A_99 = arith.constant 5.120000e+02 : f32
    %mul3A_100 = arith.constant 3.000000e+00 : f32
    %mul3A_101 = arith.mulf %mul3A_99, %mul3A_100 : f32
    %add3A_102 = vector.broadcast %mul3A_101 : f32 to vector<2048x1xf32>
    %add3A_103 = arith.addf %broadcast_in_dim3A_97, %add3A_102 : vector<2048x1xf32>
    %select_n3A_104 = arith.select %lt3A_98, %add3A_103, %select_n3A_80 : vector<2048x1xi1>, vector<2048x1xf32>
    %select_n3A_105 = arith.select %lt3A_98, %broadcast_in_dim3A_89, %select_n3A_81 : vector<2048x1xi1>, vector<2048x1xf32>
    %get3A_106 = arith.constant 2048 : index
    %get3A_107 = arith.constant 0 : index
    %get3A_108 = vector.load %arg5[%get3A_106, %get3A_107] : memref<8192x72xf32, #tpu.memory_space<vmem>>, vector<512x72xf32>
    %dot_general3A_109 = arith.constant dense<0.000000e+00> : vector<2048x512xf32>
    %dot_general3A_110 = tpu.matmul %concatenate3A, %get3A_108, %dot_general3A_109 {dimension_numbers = #tpu.dot_dimension_numbers<[1], [1], [0], [0], [0, 0, 1, 0], [], []>, transpose_lhs_hint = false} : vector<2048x72xf32>, vector<512x72xf32>, vector<2048x512xf32> -> vector<2048x512xf32>
    %reduce_min3A_111 = arith.constant dense<0x7F800000> : vector<2048xf32>
    %reduce_min3A_112 = vector.multi_reduction <minimumf>, %dot_general3A_110, %reduce_min3A_111 [1] : vector<2048x512xf32> to vector<2048xf32>
    %broadcast_in_dim3A_113 = vector.shape_cast %reduce_min3A_112 : vector<2048xf32> to vector<2048x1xf32>
    %eq3A_114 = vector.broadcast %broadcast_in_dim3A_113 : vector<2048x1xf32> to vector<2048x512xf32>
    %eq3A_115 = arith.cmpf oeq, %dot_general3A_110, %eq3A_114 : vector<2048x512xf32>
    %jit3A_116 = arith.constant 0x7F800000 : f32
    %broadcast_in_dim3A_117 = vector.broadcast %jit3A_116 : f32 to vector<2048x512xf32>
    %select_n3A_118 = arith.select %eq3A_115, %get3A_11, %broadcast_in_dim3A_117 : vector<2048x512xi1>, vector<2048x512xf32>
    %reduce_min3A_119 = arith.constant dense<0x7F800000> : vector<2048xf32>
    %reduce_min3A_120 = vector.multi_reduction <minimumf>, %select_n3A_118, %reduce_min3A_119 [1] : vector<2048x512xf32> to vector<2048xf32>
    %broadcast_in_dim3A_121 = vector.shape_cast %reduce_min3A_120 : vector<2048xf32> to vector<2048x1xf32>
    %lt3A_122 = arith.cmpf olt, %broadcast_in_dim3A_113, %select_n3A_105 : vector<2048x1xf32>
    %mul3A_123 = arith.constant 5.120000e+02 : f32
    %mul3A_124 = arith.constant 4.000000e+00 : f32
    %mul3A_125 = arith.mulf %mul3A_123, %mul3A_124 : f32
    %add3A_126 = vector.broadcast %mul3A_125 : f32 to vector<2048x1xf32>
    %add3A_127 = arith.addf %broadcast_in_dim3A_121, %add3A_126 : vector<2048x1xf32>
    %select_n3A_128 = arith.select %lt3A_122, %add3A_127, %select_n3A_104 : vector<2048x1xi1>, vector<2048x1xf32>
    %select_n3A_129 = arith.select %lt3A_122, %broadcast_in_dim3A_113, %select_n3A_105 : vector<2048x1xi1>, vector<2048x1xf32>
    %get3A_130 = arith.constant 2560 : index
    %get3A_131 = arith.constant 0 : index
    %get3A_132 = vector.load %arg5[%get3A_130, %get3A_131] : memref<8192x72xf32, #tpu.memory_space<vmem>>, vector<512x72xf32>
    %dot_general3A_133 = arith.constant dense<0.000000e+00> : vector<2048x512xf32>
    %dot_general3A_134 = tpu.matmul %concatenate3A, %get3A_132, %dot_general3A_133 {dimension_numbers = #tpu.dot_dimension_numbers<[1], [1], [0], [0], [0, 0, 1, 0], [], []>, transpose_lhs_hint = false} : vector<2048x72xf32>, vector<512x72xf32>, vector<2048x512xf32> -> vector<2048x512xf32>
    %reduce_min3A_135 = arith.constant dense<0x7F800000> : vector<2048xf32>
    %reduce_min3A_136 = vector.multi_reduction <minimumf>, %dot_general3A_134, %reduce_min3A_135 [1] : vector<2048x512xf32> to vector<2048xf32>
    %broadcast_in_dim3A_137 = vector.shape_cast %reduce_min3A_136 : vector<2048xf32> to vector<2048x1xf32>
    %eq3A_138 = vector.broadcast %broadcast_in_dim3A_137 : vector<2048x1xf32> to vector<2048x512xf32>
    %eq3A_139 = arith.cmpf oeq, %dot_general3A_134, %eq3A_138 : vector<2048x512xf32>
    %jit3A_140 = arith.constant 0x7F800000 : f32
    %broadcast_in_dim3A_141 = vector.broadcast %jit3A_140 : f32 to vector<2048x512xf32>
    %select_n3A_142 = arith.select %eq3A_139, %get3A_11, %broadcast_in_dim3A_141 : vector<2048x512xi1>, vector<2048x512xf32>
    %reduce_min3A_143 = arith.constant dense<0x7F800000> : vector<2048xf32>
    %reduce_min3A_144 = vector.multi_reduction <minimumf>, %select_n3A_142, %reduce_min3A_143 [1] : vector<2048x512xf32> to vector<2048xf32>
    %broadcast_in_dim3A_145 = vector.shape_cast %reduce_min3A_144 : vector<2048xf32> to vector<2048x1xf32>
    %lt3A_146 = arith.cmpf olt, %broadcast_in_dim3A_137, %select_n3A_129 : vector<2048x1xf32>
    %mul3A_147 = arith.constant 5.120000e+02 : f32
    %mul3A_148 = arith.constant 5.000000e+00 : f32
    %mul3A_149 = arith.mulf %mul3A_147, %mul3A_148 : f32
    %add3A_150 = vector.broadcast %mul3A_149 : f32 to vector<2048x1xf32>
    %add3A_151 = arith.addf %broadcast_in_dim3A_145, %add3A_150 : vector<2048x1xf32>
    %select_n3A_152 = arith.select %lt3A_146, %add3A_151, %select_n3A_128 : vector<2048x1xi1>, vector<2048x1xf32>
    %select_n3A_153 = arith.select %lt3A_146, %broadcast_in_dim3A_137, %select_n3A_129 : vector<2048x1xi1>, vector<2048x1xf32>
    %get3A_154 = arith.constant 3072 : index
    %get3A_155 = arith.constant 0 : index
    %get3A_156 = vector.load %arg5[%get3A_154, %get3A_155] : memref<8192x72xf32, #tpu.memory_space<vmem>>, vector<512x72xf32>
    %dot_general3A_157 = arith.constant dense<0.000000e+00> : vector<2048x512xf32>
    %dot_general3A_158 = tpu.matmul %concatenate3A, %get3A_156, %dot_general3A_157 {dimension_numbers = #tpu.dot_dimension_numbers<[1], [1], [0], [0], [0, 0, 1, 0], [], []>, transpose_lhs_hint = false} : vector<2048x72xf32>, vector<512x72xf32>, vector<2048x512xf32> -> vector<2048x512xf32>
    %reduce_min3A_159 = arith.constant dense<0x7F800000> : vector<2048xf32>
    %reduce_min3A_160 = vector.multi_reduction <minimumf>, %dot_general3A_158, %reduce_min3A_159 [1] : vector<2048x512xf32> to vector<2048xf32>
    %broadcast_in_dim3A_161 = vector.shape_cast %reduce_min3A_160 : vector<2048xf32> to vector<2048x1xf32>
    %eq3A_162 = vector.broadcast %broadcast_in_dim3A_161 : vector<2048x1xf32> to vector<2048x512xf32>
    %eq3A_163 = arith.cmpf oeq, %dot_general3A_158, %eq3A_162 : vector<2048x512xf32>
    %jit3A_164 = arith.constant 0x7F800000 : f32
    %broadcast_in_dim3A_165 = vector.broadcast %jit3A_164 : f32 to vector<2048x512xf32>
    %select_n3A_166 = arith.select %eq3A_163, %get3A_11, %broadcast_in_dim3A_165 : vector<2048x512xi1>, vector<2048x512xf32>
    %reduce_min3A_167 = arith.constant dense<0x7F800000> : vector<2048xf32>
    %reduce_min3A_168 = vector.multi_reduction <minimumf>, %select_n3A_166, %reduce_min3A_167 [1] : vector<2048x512xf32> to vector<2048xf32>
    %broadcast_in_dim3A_169 = vector.shape_cast %reduce_min3A_168 : vector<2048xf32> to vector<2048x1xf32>
    %lt3A_170 = arith.cmpf olt, %broadcast_in_dim3A_161, %select_n3A_153 : vector<2048x1xf32>
    %mul3A_171 = arith.constant 5.120000e+02 : f32
    %mul3A_172 = arith.constant 6.000000e+00 : f32
    %mul3A_173 = arith.mulf %mul3A_171, %mul3A_172 : f32
    %add3A_174 = vector.broadcast %mul3A_173 : f32 to vector<2048x1xf32>
    %add3A_175 = arith.addf %broadcast_in_dim3A_169, %add3A_174 : vector<2048x1xf32>
    %select_n3A_176 = arith.select %lt3A_170, %add3A_175, %select_n3A_152 : vector<2048x1xi1>, vector<2048x1xf32>
    %select_n3A_177 = arith.select %lt3A_170, %broadcast_in_dim3A_161, %select_n3A_153 : vector<2048x1xi1>, vector<2048x1xf32>
    %get3A_178 = arith.constant 3584 : index
    %get3A_179 = arith.constant 0 : index
    %get3A_180 = vector.load %arg5[%get3A_178, %get3A_179] : memref<8192x72xf32, #tpu.memory_space<vmem>>, vector<512x72xf32>
    %dot_general3A_181 = arith.constant dense<0.000000e+00> : vector<2048x512xf32>
    %dot_general3A_182 = tpu.matmul %concatenate3A, %get3A_180, %dot_general3A_181 {dimension_numbers = #tpu.dot_dimension_numbers<[1], [1], [0], [0], [0, 0, 1, 0], [], []>, transpose_lhs_hint = false} : vector<2048x72xf32>, vector<512x72xf32>, vector<2048x512xf32> -> vector<2048x512xf32>
    %reduce_min3A_183 = arith.constant dense<0x7F800000> : vector<2048xf32>
    %reduce_min3A_184 = vector.multi_reduction <minimumf>, %dot_general3A_182, %reduce_min3A_183 [1] : vector<2048x512xf32> to vector<2048xf32>
    %broadcast_in_dim3A_185 = vector.shape_cast %reduce_min3A_184 : vector<2048xf32> to vector<2048x1xf32>
    %eq3A_186 = vector.broadcast %broadcast_in_dim3A_185 : vector<2048x1xf32> to vector<2048x512xf32>
    %eq3A_187 = arith.cmpf oeq, %dot_general3A_182, %eq3A_186 : vector<2048x512xf32>
    %jit3A_188 = arith.constant 0x7F800000 : f32
    %broadcast_in_dim3A_189 = vector.broadcast %jit3A_188 : f32 to vector<2048x512xf32>
    %select_n3A_190 = arith.select %eq3A_187, %get3A_11, %broadcast_in_dim3A_189 : vector<2048x512xi1>, vector<2048x512xf32>
    %reduce_min3A_191 = arith.constant dense<0x7F800000> : vector<2048xf32>
    %reduce_min3A_192 = vector.multi_reduction <minimumf>, %select_n3A_190, %reduce_min3A_191 [1] : vector<2048x512xf32> to vector<2048xf32>
    %broadcast_in_dim3A_193 = vector.shape_cast %reduce_min3A_192 : vector<2048xf32> to vector<2048x1xf32>
    %lt3A_194 = arith.cmpf olt, %broadcast_in_dim3A_185, %select_n3A_177 : vector<2048x1xf32>
    %mul3A_195 = arith.constant 5.120000e+02 : f32
    %mul3A_196 = arith.constant 7.000000e+00 : f32
    %mul3A_197 = arith.mulf %mul3A_195, %mul3A_196 : f32
    %add3A_198 = vector.broadcast %mul3A_197 : f32 to vector<2048x1xf32>
    %add3A_199 = arith.addf %broadcast_in_dim3A_193, %add3A_198 : vector<2048x1xf32>
    %select_n3A_200 = arith.select %lt3A_194, %add3A_199, %select_n3A_176 : vector<2048x1xi1>, vector<2048x1xf32>
    %select_n3A_201 = arith.select %lt3A_194, %broadcast_in_dim3A_185, %select_n3A_177 : vector<2048x1xi1>, vector<2048x1xf32>
    %get3A_202 = arith.constant 4096 : index
    %get3A_203 = arith.constant 0 : index
    %get3A_204 = vector.load %arg5[%get3A_202, %get3A_203] : memref<8192x72xf32, #tpu.memory_space<vmem>>, vector<512x72xf32>
    %dot_general3A_205 = arith.constant dense<0.000000e+00> : vector<2048x512xf32>
    %dot_general3A_206 = tpu.matmul %concatenate3A, %get3A_204, %dot_general3A_205 {dimension_numbers = #tpu.dot_dimension_numbers<[1], [1], [0], [0], [0, 0, 1, 0], [], []>, transpose_lhs_hint = false} : vector<2048x72xf32>, vector<512x72xf32>, vector<2048x512xf32> -> vector<2048x512xf32>
    %reduce_min3A_207 = arith.constant dense<0x7F800000> : vector<2048xf32>
    %reduce_min3A_208 = vector.multi_reduction <minimumf>, %dot_general3A_206, %reduce_min3A_207 [1] : vector<2048x512xf32> to vector<2048xf32>
    %broadcast_in_dim3A_209 = vector.shape_cast %reduce_min3A_208 : vector<2048xf32> to vector<2048x1xf32>
    %eq3A_210 = vector.broadcast %broadcast_in_dim3A_209 : vector<2048x1xf32> to vector<2048x512xf32>
    %eq3A_211 = arith.cmpf oeq, %dot_general3A_206, %eq3A_210 : vector<2048x512xf32>
    %jit3A_212 = arith.constant 0x7F800000 : f32
    %broadcast_in_dim3A_213 = vector.broadcast %jit3A_212 : f32 to vector<2048x512xf32>
    %select_n3A_214 = arith.select %eq3A_211, %get3A_11, %broadcast_in_dim3A_213 : vector<2048x512xi1>, vector<2048x512xf32>
    %reduce_min3A_215 = arith.constant dense<0x7F800000> : vector<2048xf32>
    %reduce_min3A_216 = vector.multi_reduction <minimumf>, %select_n3A_214, %reduce_min3A_215 [1] : vector<2048x512xf32> to vector<2048xf32>
    %broadcast_in_dim3A_217 = vector.shape_cast %reduce_min3A_216 : vector<2048xf32> to vector<2048x1xf32>
    %lt3A_218 = arith.cmpf olt, %broadcast_in_dim3A_209, %select_n3A_201 : vector<2048x1xf32>
    %mul3A_219 = arith.constant 5.120000e+02 : f32
    %mul3A_220 = arith.constant 8.000000e+00 : f32
    %mul3A_221 = arith.mulf %mul3A_219, %mul3A_220 : f32
    %add3A_222 = vector.broadcast %mul3A_221 : f32 to vector<2048x1xf32>
    %add3A_223 = arith.addf %broadcast_in_dim3A_217, %add3A_222 : vector<2048x1xf32>
    %select_n3A_224 = arith.select %lt3A_218, %add3A_223, %select_n3A_200 : vector<2048x1xi1>, vector<2048x1xf32>
    %select_n3A_225 = arith.select %lt3A_218, %broadcast_in_dim3A_209, %select_n3A_201 : vector<2048x1xi1>, vector<2048x1xf32>
    %get3A_226 = arith.constant 4608 : index
    %get3A_227 = arith.constant 0 : index
    %get3A_228 = vector.load %arg5[%get3A_226, %get3A_227] : memref<8192x72xf32, #tpu.memory_space<vmem>>, vector<512x72xf32>
    %dot_general3A_229 = arith.constant dense<0.000000e+00> : vector<2048x512xf32>
    %dot_general3A_230 = tpu.matmul %concatenate3A, %get3A_228, %dot_general3A_229 {dimension_numbers = #tpu.dot_dimension_numbers<[1], [1], [0], [0], [0, 0, 1, 0], [], []>, transpose_lhs_hint = false} : vector<2048x72xf32>, vector<512x72xf32>, vector<2048x512xf32> -> vector<2048x512xf32>
    %reduce_min3A_231 = arith.constant dense<0x7F800000> : vector<2048xf32>
    %reduce_min3A_232 = vector.multi_reduction <minimumf>, %dot_general3A_230, %reduce_min3A_231 [1] : vector<2048x512xf32> to vector<2048xf32>
    %broadcast_in_dim3A_233 = vector.shape_cast %reduce_min3A_232 : vector<2048xf32> to vector<2048x1xf32>
    %eq3A_234 = vector.broadcast %broadcast_in_dim3A_233 : vector<2048x1xf32> to vector<2048x512xf32>
    %eq3A_235 = arith.cmpf oeq, %dot_general3A_230, %eq3A_234 : vector<2048x512xf32>
    %jit3A_236 = arith.constant 0x7F800000 : f32
    %broadcast_in_dim3A_237 = vector.broadcast %jit3A_236 : f32 to vector<2048x512xf32>
    %select_n3A_238 = arith.select %eq3A_235, %get3A_11, %broadcast_in_dim3A_237 : vector<2048x512xi1>, vector<2048x512xf32>
    %reduce_min3A_239 = arith.constant dense<0x7F800000> : vector<2048xf32>
    %reduce_min3A_240 = vector.multi_reduction <minimumf>, %select_n3A_238, %reduce_min3A_239 [1] : vector<2048x512xf32> to vector<2048xf32>
    %broadcast_in_dim3A_241 = vector.shape_cast %reduce_min3A_240 : vector<2048xf32> to vector<2048x1xf32>
    %lt3A_242 = arith.cmpf olt, %broadcast_in_dim3A_233, %select_n3A_225 : vector<2048x1xf32>
    %mul3A_243 = arith.constant 5.120000e+02 : f32
    %mul3A_244 = arith.constant 9.000000e+00 : f32
    %mul3A_245 = arith.mulf %mul3A_243, %mul3A_244 : f32
    %add3A_246 = vector.broadcast %mul3A_245 : f32 to vector<2048x1xf32>
    %add3A_247 = arith.addf %broadcast_in_dim3A_241, %add3A_246 : vector<2048x1xf32>
    %select_n3A_248 = arith.select %lt3A_242, %add3A_247, %select_n3A_224 : vector<2048x1xi1>, vector<2048x1xf32>
    %select_n3A_249 = arith.select %lt3A_242, %broadcast_in_dim3A_233, %select_n3A_225 : vector<2048x1xi1>, vector<2048x1xf32>
    %get3A_250 = arith.constant 5120 : index
    %get3A_251 = arith.constant 0 : index
    %get3A_252 = vector.load %arg5[%get3A_250, %get3A_251] : memref<8192x72xf32, #tpu.memory_space<vmem>>, vector<512x72xf32>
    %dot_general3A_253 = arith.constant dense<0.000000e+00> : vector<2048x512xf32>
    %dot_general3A_254 = tpu.matmul %concatenate3A, %get3A_252, %dot_general3A_253 {dimension_numbers = #tpu.dot_dimension_numbers<[1], [1], [0], [0], [0, 0, 1, 0], [], []>, transpose_lhs_hint = false} : vector<2048x72xf32>, vector<512x72xf32>, vector<2048x512xf32> -> vector<2048x512xf32>
    %reduce_min3A_255 = arith.constant dense<0x7F800000> : vector<2048xf32>
    %reduce_min3A_256 = vector.multi_reduction <minimumf>, %dot_general3A_254, %reduce_min3A_255 [1] : vector<2048x512xf32> to vector<2048xf32>
    %broadcast_in_dim3A_257 = vector.shape_cast %reduce_min3A_256 : vector<2048xf32> to vector<2048x1xf32>
    %eq3A_258 = vector.broadcast %broadcast_in_dim3A_257 : vector<2048x1xf32> to vector<2048x512xf32>
    %eq3A_259 = arith.cmpf oeq, %dot_general3A_254, %eq3A_258 : vector<2048x512xf32>
    %jit3A_260 = arith.constant 0x7F800000 : f32
    %broadcast_in_dim3A_261 = vector.broadcast %jit3A_260 : f32 to vector<2048x512xf32>
    %select_n3A_262 = arith.select %eq3A_259, %get3A_11, %broadcast_in_dim3A_261 : vector<2048x512xi1>, vector<2048x512xf32>
    %reduce_min3A_263 = arith.constant dense<0x7F800000> : vector<2048xf32>
    %reduce_min3A_264 = vector.multi_reduction <minimumf>, %select_n3A_262, %reduce_min3A_263 [1] : vector<2048x512xf32> to vector<2048xf32>
    %broadcast_in_dim3A_265 = vector.shape_cast %reduce_min3A_264 : vector<2048xf32> to vector<2048x1xf32>
    %lt3A_266 = arith.cmpf olt, %broadcast_in_dim3A_257, %select_n3A_249 : vector<2048x1xf32>
    %mul3A_267 = arith.constant 5.120000e+02 : f32
    %mul3A_268 = arith.constant 1.000000e+01 : f32
    %mul3A_269 = arith.mulf %mul3A_267, %mul3A_268 : f32
    %add3A_270 = vector.broadcast %mul3A_269 : f32 to vector<2048x1xf32>
    %add3A_271 = arith.addf %broadcast_in_dim3A_265, %add3A_270 : vector<2048x1xf32>
    %select_n3A_272 = arith.select %lt3A_266, %add3A_271, %select_n3A_248 : vector<2048x1xi1>, vector<2048x1xf32>
    %select_n3A_273 = arith.select %lt3A_266, %broadcast_in_dim3A_257, %select_n3A_249 : vector<2048x1xi1>, vector<2048x1xf32>
    %get3A_274 = arith.constant 5632 : index
    %get3A_275 = arith.constant 0 : index
    %get3A_276 = vector.load %arg5[%get3A_274, %get3A_275] : memref<8192x72xf32, #tpu.memory_space<vmem>>, vector<512x72xf32>
    %dot_general3A_277 = arith.constant dense<0.000000e+00> : vector<2048x512xf32>
    %dot_general3A_278 = tpu.matmul %concatenate3A, %get3A_276, %dot_general3A_277 {dimension_numbers = #tpu.dot_dimension_numbers<[1], [1], [0], [0], [0, 0, 1, 0], [], []>, transpose_lhs_hint = false} : vector<2048x72xf32>, vector<512x72xf32>, vector<2048x512xf32> -> vector<2048x512xf32>
    %reduce_min3A_279 = arith.constant dense<0x7F800000> : vector<2048xf32>
    %reduce_min3A_280 = vector.multi_reduction <minimumf>, %dot_general3A_278, %reduce_min3A_279 [1] : vector<2048x512xf32> to vector<2048xf32>
    %broadcast_in_dim3A_281 = vector.shape_cast %reduce_min3A_280 : vector<2048xf32> to vector<2048x1xf32>
    %eq3A_282 = vector.broadcast %broadcast_in_dim3A_281 : vector<2048x1xf32> to vector<2048x512xf32>
    %eq3A_283 = arith.cmpf oeq, %dot_general3A_278, %eq3A_282 : vector<2048x512xf32>
    %jit3A_284 = arith.constant 0x7F800000 : f32
    %broadcast_in_dim3A_285 = vector.broadcast %jit3A_284 : f32 to vector<2048x512xf32>
    %select_n3A_286 = arith.select %eq3A_283, %get3A_11, %broadcast_in_dim3A_285 : vector<2048x512xi1>, vector<2048x512xf32>
    %reduce_min3A_287 = arith.constant dense<0x7F800000> : vector<2048xf32>
    %reduce_min3A_288 = vector.multi_reduction <minimumf>, %select_n3A_286, %reduce_min3A_287 [1] : vector<2048x512xf32> to vector<2048xf32>
    %broadcast_in_dim3A_289 = vector.shape_cast %reduce_min3A_288 : vector<2048xf32> to vector<2048x1xf32>
    %lt3A_290 = arith.cmpf olt, %broadcast_in_dim3A_281, %select_n3A_273 : vector<2048x1xf32>
    %mul3A_291 = arith.constant 5.120000e+02 : f32
    %mul3A_292 = arith.constant 1.100000e+01 : f32
    %mul3A_293 = arith.mulf %mul3A_291, %mul3A_292 : f32
    %add3A_294 = vector.broadcast %mul3A_293 : f32 to vector<2048x1xf32>
    %add3A_295 = arith.addf %broadcast_in_dim3A_289, %add3A_294 : vector<2048x1xf32>
    %select_n3A_296 = arith.select %lt3A_290, %add3A_295, %select_n3A_272 : vector<2048x1xi1>, vector<2048x1xf32>
    %select_n3A_297 = arith.select %lt3A_290, %broadcast_in_dim3A_281, %select_n3A_273 : vector<2048x1xi1>, vector<2048x1xf32>
    %get3A_298 = arith.constant 6144 : index
    %get3A_299 = arith.constant 0 : index
    %get3A_300 = vector.load %arg5[%get3A_298, %get3A_299] : memref<8192x72xf32, #tpu.memory_space<vmem>>, vector<512x72xf32>
    %dot_general3A_301 = arith.constant dense<0.000000e+00> : vector<2048x512xf32>
    %dot_general3A_302 = tpu.matmul %concatenate3A, %get3A_300, %dot_general3A_301 {dimension_numbers = #tpu.dot_dimension_numbers<[1], [1], [0], [0], [0, 0, 1, 0], [], []>, transpose_lhs_hint = false} : vector<2048x72xf32>, vector<512x72xf32>, vector<2048x512xf32> -> vector<2048x512xf32>
    %reduce_min3A_303 = arith.constant dense<0x7F800000> : vector<2048xf32>
    %reduce_min3A_304 = vector.multi_reduction <minimumf>, %dot_general3A_302, %reduce_min3A_303 [1] : vector<2048x512xf32> to vector<2048xf32>
    %broadcast_in_dim3A_305 = vector.shape_cast %reduce_min3A_304 : vector<2048xf32> to vector<2048x1xf32>
    %eq3A_306 = vector.broadcast %broadcast_in_dim3A_305 : vector<2048x1xf32> to vector<2048x512xf32>
    %eq3A_307 = arith.cmpf oeq, %dot_general3A_302, %eq3A_306 : vector<2048x512xf32>
    %jit3A_308 = arith.constant 0x7F800000 : f32
    %broadcast_in_dim3A_309 = vector.broadcast %jit3A_308 : f32 to vector<2048x512xf32>
    %select_n3A_310 = arith.select %eq3A_307, %get3A_11, %broadcast_in_dim3A_309 : vector<2048x512xi1>, vector<2048x512xf32>
    %reduce_min3A_311 = arith.constant dense<0x7F800000> : vector<2048xf32>
    %reduce_min3A_312 = vector.multi_reduction <minimumf>, %select_n3A_310, %reduce_min3A_311 [1] : vector<2048x512xf32> to vector<2048xf32>
    %broadcast_in_dim3A_313 = vector.shape_cast %reduce_min3A_312 : vector<2048xf32> to vector<2048x1xf32>
    %lt3A_314 = arith.cmpf olt, %broadcast_in_dim3A_305, %select_n3A_297 : vector<2048x1xf32>
    %mul3A_315 = arith.constant 5.120000e+02 : f32
    %mul3A_316 = arith.constant 1.200000e+01 : f32
    %mul3A_317 = arith.mulf %mul3A_315, %mul3A_316 : f32
    %add3A_318 = vector.broadcast %mul3A_317 : f32 to vector<2048x1xf32>
    %add3A_319 = arith.addf %broadcast_in_dim3A_313, %add3A_318 : vector<2048x1xf32>
    %select_n3A_320 = arith.select %lt3A_314, %add3A_319, %select_n3A_296 : vector<2048x1xi1>, vector<2048x1xf32>
    %select_n3A_321 = arith.select %lt3A_314, %broadcast_in_dim3A_305, %select_n3A_297 : vector<2048x1xi1>, vector<2048x1xf32>
    %get3A_322 = arith.constant 6656 : index
    %get3A_323 = arith.constant 0 : index
    %get3A_324 = vector.load %arg5[%get3A_322, %get3A_323] : memref<8192x72xf32, #tpu.memory_space<vmem>>, vector<512x72xf32>
    %dot_general3A_325 = arith.constant dense<0.000000e+00> : vector<2048x512xf32>
    %dot_general3A_326 = tpu.matmul %concatenate3A, %get3A_324, %dot_general3A_325 {dimension_numbers = #tpu.dot_dimension_numbers<[1], [1], [0], [0], [0, 0, 1, 0], [], []>, transpose_lhs_hint = false} : vector<2048x72xf32>, vector<512x72xf32>, vector<2048x512xf32> -> vector<2048x512xf32>
    %reduce_min3A_327 = arith.constant dense<0x7F800000> : vector<2048xf32>
    %reduce_min3A_328 = vector.multi_reduction <minimumf>, %dot_general3A_326, %reduce_min3A_327 [1] : vector<2048x512xf32> to vector<2048xf32>
    %broadcast_in_dim3A_329 = vector.shape_cast %reduce_min3A_328 : vector<2048xf32> to vector<2048x1xf32>
    %eq3A_330 = vector.broadcast %broadcast_in_dim3A_329 : vector<2048x1xf32> to vector<2048x512xf32>
    %eq3A_331 = arith.cmpf oeq, %dot_general3A_326, %eq3A_330 : vector<2048x512xf32>
    %jit3A_332 = arith.constant 0x7F800000 : f32
    %broadcast_in_dim3A_333 = vector.broadcast %jit3A_332 : f32 to vector<2048x512xf32>
    %select_n3A_334 = arith.select %eq3A_331, %get3A_11, %broadcast_in_dim3A_333 : vector<2048x512xi1>, vector<2048x512xf32>
    %reduce_min3A_335 = arith.constant dense<0x7F800000> : vector<2048xf32>
    %reduce_min3A_336 = vector.multi_reduction <minimumf>, %select_n3A_334, %reduce_min3A_335 [1] : vector<2048x512xf32> to vector<2048xf32>
    %broadcast_in_dim3A_337 = vector.shape_cast %reduce_min3A_336 : vector<2048xf32> to vector<2048x1xf32>
    %lt3A_338 = arith.cmpf olt, %broadcast_in_dim3A_329, %select_n3A_321 : vector<2048x1xf32>
    %mul3A_339 = arith.constant 5.120000e+02 : f32
    %mul3A_340 = arith.constant 1.300000e+01 : f32
    %mul3A_341 = arith.mulf %mul3A_339, %mul3A_340 : f32
    %add3A_342 = vector.broadcast %mul3A_341 : f32 to vector<2048x1xf32>
    %add3A_343 = arith.addf %broadcast_in_dim3A_337, %add3A_342 : vector<2048x1xf32>
    %select_n3A_344 = arith.select %lt3A_338, %add3A_343, %select_n3A_320 : vector<2048x1xi1>, vector<2048x1xf32>
    %select_n3A_345 = arith.select %lt3A_338, %broadcast_in_dim3A_329, %select_n3A_321 : vector<2048x1xi1>, vector<2048x1xf32>
    %get3A_346 = arith.constant 7168 : index
    %get3A_347 = arith.constant 0 : index
    %get3A_348 = vector.load %arg5[%get3A_346, %get3A_347] : memref<8192x72xf32, #tpu.memory_space<vmem>>, vector<512x72xf32>
    %dot_general3A_349 = arith.constant dense<0.000000e+00> : vector<2048x512xf32>
    %dot_general3A_350 = tpu.matmul %concatenate3A, %get3A_348, %dot_general3A_349 {dimension_numbers = #tpu.dot_dimension_numbers<[1], [1], [0], [0], [0, 0, 1, 0], [], []>, transpose_lhs_hint = false} : vector<2048x72xf32>, vector<512x72xf32>, vector<2048x512xf32> -> vector<2048x512xf32>
    %reduce_min3A_351 = arith.constant dense<0x7F800000> : vector<2048xf32>
    %reduce_min3A_352 = vector.multi_reduction <minimumf>, %dot_general3A_350, %reduce_min3A_351 [1] : vector<2048x512xf32> to vector<2048xf32>
    %broadcast_in_dim3A_353 = vector.shape_cast %reduce_min3A_352 : vector<2048xf32> to vector<2048x1xf32>
    %eq3A_354 = vector.broadcast %broadcast_in_dim3A_353 : vector<2048x1xf32> to vector<2048x512xf32>
    %eq3A_355 = arith.cmpf oeq, %dot_general3A_350, %eq3A_354 : vector<2048x512xf32>
    %jit3A_356 = arith.constant 0x7F800000 : f32
    %broadcast_in_dim3A_357 = vector.broadcast %jit3A_356 : f32 to vector<2048x512xf32>
    %select_n3A_358 = arith.select %eq3A_355, %get3A_11, %broadcast_in_dim3A_357 : vector<2048x512xi1>, vector<2048x512xf32>
    %reduce_min3A_359 = arith.constant dense<0x7F800000> : vector<2048xf32>
    %reduce_min3A_360 = vector.multi_reduction <minimumf>, %select_n3A_358, %reduce_min3A_359 [1] : vector<2048x512xf32> to vector<2048xf32>
    %broadcast_in_dim3A_361 = vector.shape_cast %reduce_min3A_360 : vector<2048xf32> to vector<2048x1xf32>
    %lt3A_362 = arith.cmpf olt, %broadcast_in_dim3A_353, %select_n3A_345 : vector<2048x1xf32>
    %mul3A_363 = arith.constant 5.120000e+02 : f32
    %mul3A_364 = arith.constant 1.400000e+01 : f32
    %mul3A_365 = arith.mulf %mul3A_363, %mul3A_364 : f32
    %add3A_366 = vector.broadcast %mul3A_365 : f32 to vector<2048x1xf32>
    %add3A_367 = arith.addf %broadcast_in_dim3A_361, %add3A_366 : vector<2048x1xf32>
    %select_n3A_368 = arith.select %lt3A_362, %add3A_367, %select_n3A_344 : vector<2048x1xi1>, vector<2048x1xf32>
    %select_n3A_369 = arith.select %lt3A_362, %broadcast_in_dim3A_353, %select_n3A_345 : vector<2048x1xi1>, vector<2048x1xf32>
    %get3A_370 = arith.constant 7680 : index
    %get3A_371 = arith.constant 0 : index
    %get3A_372 = vector.load %arg5[%get3A_370, %get3A_371] : memref<8192x72xf32, #tpu.memory_space<vmem>>, vector<512x72xf32>
    %dot_general3A_373 = arith.constant dense<0.000000e+00> : vector<2048x512xf32>
    %dot_general3A_374 = tpu.matmul %concatenate3A, %get3A_372, %dot_general3A_373 {dimension_numbers = #tpu.dot_dimension_numbers<[1], [1], [0], [0], [0, 0, 1, 0], [], []>, transpose_lhs_hint = false} : vector<2048x72xf32>, vector<512x72xf32>, vector<2048x512xf32> -> vector<2048x512xf32>
    %reduce_min3A_375 = arith.constant dense<0x7F800000> : vector<2048xf32>
    %reduce_min3A_376 = vector.multi_reduction <minimumf>, %dot_general3A_374, %reduce_min3A_375 [1] : vector<2048x512xf32> to vector<2048xf32>
    %broadcast_in_dim3A_377 = vector.shape_cast %reduce_min3A_376 : vector<2048xf32> to vector<2048x1xf32>
    %eq3A_378 = vector.broadcast %broadcast_in_dim3A_377 : vector<2048x1xf32> to vector<2048x512xf32>
    %eq3A_379 = arith.cmpf oeq, %dot_general3A_374, %eq3A_378 : vector<2048x512xf32>
    %jit3A_380 = arith.constant 0x7F800000 : f32
    %broadcast_in_dim3A_381 = vector.broadcast %jit3A_380 : f32 to vector<2048x512xf32>
    %select_n3A_382 = arith.select %eq3A_379, %get3A_11, %broadcast_in_dim3A_381 : vector<2048x512xi1>, vector<2048x512xf32>
    %reduce_min3A_383 = arith.constant dense<0x7F800000> : vector<2048xf32>
    %reduce_min3A_384 = vector.multi_reduction <minimumf>, %select_n3A_382, %reduce_min3A_383 [1] : vector<2048x512xf32> to vector<2048xf32>
    %broadcast_in_dim3A_385 = vector.shape_cast %reduce_min3A_384 : vector<2048xf32> to vector<2048x1xf32>
    %lt3A_386 = arith.cmpf olt, %broadcast_in_dim3A_377, %select_n3A_369 : vector<2048x1xf32>
    %mul3A_387 = arith.constant 5.120000e+02 : f32
    %mul3A_388 = arith.constant 1.500000e+01 : f32
    %mul3A_389 = arith.mulf %mul3A_387, %mul3A_388 : f32
    %add3A_390 = vector.broadcast %mul3A_389 : f32 to vector<2048x1xf32>
    %add3A_391 = arith.addf %broadcast_in_dim3A_385, %add3A_390 : vector<2048x1xf32>
    %select_n3A_392 = arith.select %lt3A_386, %add3A_391, %select_n3A_368 : vector<2048x1xi1>, vector<2048x1xf32>
    %convert_element_type3A_393 = arith.fptosi %select_n3A_392 : vector<2048x1xf32> to vector<2048x1xi32>
    %swap3A = arith.constant 0 : index
    %swap3A_394 = arith.constant 0 : index
    %swap3A_395 = vector.load %arg3[%swap3A, %swap3A_394] : memref<2048x1xi32, #tpu.memory_space<vmem>>, vector<2048x1xi32>
    tpu.vector_store %arg3[%swap3A, %swap3A_394], %convert_element_type3A_393 {strides = array<i32>} : memref<2048x1xi32, #tpu.memory_space<vmem>>, vector<2048x1xi32>,
    return
  }
  func.func @transform_0(%arg0: i32) -> (i32, i32) {
    %c0_i32 = arith.constant 0 : i32
    %c0_i32_0 = arith.constant 0 : i32
    return %arg0, %c0_i32 : i32, i32
  }
  func.func @transform_1(%arg0: i32) -> (i32, i32) {
    %c0_i32 = arith.constant 0 : i32
    %c0_i32_0 = arith.constant 0 : i32
    %c0_i32_1 = arith.constant 0 : i32
    return %c0_i32, %c0_i32_0 : i32, i32
  }
  func.func @transform_2(%arg0: i32) -> (i32, i32) {
    %c0_i32 = arith.constant 0 : i32
    %c0_i32_0 = arith.constant 0 : i32
    return %arg0, %c0_i32 : i32, i32
  }
}

</mosaic_0001>

<sc_bundles>
// kernel: kernel.4.cloned.1.call-start
scs
__scs_entry_jumppad:
0x0: {  	(pc) =	sbr.rel $0x88, $3  }
0x1: {  	(tag) =	ssettag $0x0;
	lr =	simm.s32 $0x1  }
0x2: {  	[smem:$0x3F9D] =	sst lr;
	_ =	strace $0xD0000000  }
0x3: {  	_ = 	snop  }
0x4: {  	_ = 	snop  }
0x5: {  	_ = 	snop  }
0x6: {  	_ = 	snop  }
0x7: {  	_ = 	snop  }
__scs_overlays_trampoline_lowered:
0x8: {  	[smem:$0x3FAC] =	sst s0  }
0x9: {  	[smem:$0x3FAD] =	sst s1  }
0xa: {  	[smem:$0x3FAE] =	sst s2  }
0xb: {  	[smem:$0x3FAF] =	sst s3  }
0xc: {  	[smem:$0x3FB0] =	sst s4  }
0xd: {  	[smem:$0x3FB1] =	sst s5  }
0xe: {  	[smem:$0x3FB2] =	sst s6  }
0xf: {  	[smem:$0x3FB3] =	sst s7  }
0x10: {  	[smem:$0x3FB4] =	sst s8  }
0x11: {  	[smem:$0x3FB5] =	sst s9;
	s0 =	simm.s32 @!p0 $0x0  }
0x12: {  	s1 =	sld [smem:$0x3F9B];
	s0 =	simm.s32 @p0 $0x1  }
0x13: {  	[smem:$0x3FB6] =	sst s0;
	s0 =	simm.s32 @!p1 $0x0  }
0x14: {  	s2 =	sld [smem:$0x3F9A];
	s0 =	simm.s32 @p1 $0x1  }
0x15: {  	[smem:$0x3FB7] =	sst s0;
	s0 =	simm.s32 @!p2 $0x0  }
0x16: {  	s3 =	sld [smem:$0x3FDB];
	s0 =	simm.s32 @p2 $0x1  }
0x17: {  	s4 =	simm.s32 $0x1BF5;
	[smem:$0x3FB9] =	sst s0  }
0x18: {  	s0 =	sld [smem:$0x3F9C];
	_ =	swait.ge [sflag:s4], $0x0  }
0x19: {  	s7 =	sld [smem:$0x3F9D]  }
0x1a: {  	s8 =	sadd.s32 $0xFFFFE003, lr  }
0x1b: {  	s9 =	sadd.s32 $0xFFFFFEF7, lr;
	s5 =	simm.s32 $0xFFFFFFFF;
	p2 =	slt.u32 s8, $0xFFFFF086  }
0x1c: {  	p1 =	slt.u32 s9, $0xF7A;
	s5 =	simm.s32 @!p2 $0x0  }
0x1d: {  	s5 =	simm.s32 @p1 $0x1;
	p0 =	seq.s32 s7, s2  }
0x1e: {  	s7 =	smul.u32 @!p0 $0xF7A, s2;
	p2 =	seq.s32 @!p0 s5, $0x0  }
0x1f: {  	s9 =	smul.u32 $0xF7A, s1;
	s8 =	simm.s32 @!p0 $0x1BF5;
	p2 =	por !p2, p0  }
0x20: {  	[sflag:s8] =	ssyncset.s32 @!p0 $0xFFFFF086;
	s6 =	sadd.s32 @!p0 s3, s7;
	s7 =	simm.s32 @!p0 $0x108  }
0x21: {  	s3 =	sadd.s32 s3, s9;
	s6 =	sadd.s32 @!p0 $0x88, s6;
	s7 =	simm.s32 @p2 $0x1082  }
0x22: {  	[simem:s7], [sflag:s8] =	dma.local @!p0 [hbm:s6], $0xF7A  }
0x23: {  	s9 =	sor.u32 $0xD0000000, s2;
	s6 =	simm.s32 $0x108;
	_ =	swait.ge @!p0 [sflag:s8], $0x0  }
0x24: {  	s3 =	sadd.s32 $0x88, s3;
	s6 =	simm.s32 @!p1 $0x1082;
	[sflag:s4] =	ssyncset.s32 $0xFFFFF086  }
0x25: {  	[simem:s6], [sflag:s4] =	dma.local [hbm:s3], $0xF7A  }
0x26: {  	[smem:$0x3F9D] =	sst s1;
	(tag) =	ssettag s2;
	_ =	strace s9  }
0x27: {  	s1 =	sld [smem:$0x3FAD]  }
0x28: {  	s2 =	sld [smem:$0x3FAE]  }
0x29: {  	s4 =	sld [smem:$0x3FB0]  }
0x2a: {  	p0 =	seq.s32 s5, $0x0;
	s5 =	sld [smem:$0x3FB1]  }
0x2b: {  	s6 =	sld [smem:$0x3FB2]  }
0x2c: {  	s7 =	sld [smem:$0x3FB3]  }
0x2d: {  	s3 =	simm.s32 $0x108;
	s8 =	sld [smem:$0x3FB4]  }
0x2e: {  	s3 =	simm.s32 @!p0 $0x1082;
	s9 =	sld [smem:$0x3FB5]  }
0x2f: {  	lr =	sadd.s32 s0, s3;
	s0 =	sld [smem:$0x3FAC]  }
0x30: {  	s3 =	sld [smem:$0x3FAF]  }
0x31: {  	[smem:$0x3FB8] =	sst s10  }
0x32: {  	s10 =	sld [smem:$0x3FB6];
	_ =	sdelay $0x3  }
0x33: {  	p0 =	seq.s32 s10, $0x1;
	s10 =	sld [smem:$0x3FB8];
	_ =	sdelay $0x3  }
0x34: {  	[smem:$0x3FB8] =	sst s10  }
0x35: {  	s10 =	sld [smem:$0x3FB7];
	_ =	sdelay $0x3  }
0x36: {  	p1 =	seq.s32 s10, $0x1;
	s10 =	sld [smem:$0x3FB8];
	_ =	sdelay $0x3  }
0x37: {  	[smem:$0x3FB8] =	sst s10  }
0x38: {  	s10 =	sld [smem:$0x3FB9]  }
0x39: {  	_ = 	snop;
	(pc) =	sbr.ind lr, $3  }
0x3a: {  	_ = 	snop  }
0x3b: {  	_ = 	snop  }
0x3c: {  	p2 =	seq.s32 s10, $0x1;
	s10 =	sld [smem:$0x3FB8]  }
0x3d: {  	_ =	shalt  }
0x3e: {  	_ =	shalt  }
0x3f: {  	_ =	shalt  }
0x40: {  	_ =	shalt  }
0x41: {  	_ =	shalt  }
0x42: {  	_ =	shalt  }
0x43: {  	_ =	shalt  }
0x44: {  	_ =	shalt  }
0x45: {  	_ =	shalt  }
0x46: {  	_ =	shalt  }
0x47: {  	_ =	shalt  }
0x48: {  	_ =	shalt  }
0x49: {  	_ =	shalt  }
0x4a: {  	_ =	shalt  }
0x4b: {  	_ =	shalt  }
0x4c: {  	_ =	shalt  }
0x4d: {  	_ =	shalt  }
0x4e: {  	_ =	shalt  }
0x4f: {  	_ =	shalt  }
0x50: {  	_ =	shalt  }
0x51: {  	_ =	shalt  }
0x52: {  	_ =	shalt  }
0x53: {  	_ =	shalt  }
0x54: {  	_ =	shalt  }
0x55: {  	_ =	shalt  }
0x56: {  	_ =	shalt  }
0x57: {  	_ =	shalt  }
0x58: {  	_ =	shalt  }
0x59: {  	_ =	shalt  }
0x5a: {  	_ =	shalt  }
0x5b: {  	_ =	shalt  }
0x5c: {  	_ =	shalt  }
0x5d: {  	_ =	shalt  }
0x5e: {  	_ =	shalt  }
0x5f: {  	_ =	shalt  }
0x60: {  	_ =	shalt  }
0x61: {  	_ =	shalt  }
0x62: {  	_ =	shalt  }
0x63: {  	_ =	shalt  }
0x64: {  	_ =	shalt  }
0x65: {  	_ =	shalt  }
0x66: {  	_ =	shalt  }
0x67: {  	_ =	shalt  }
0x68: {  	_ =	shalt  }
0x69: {  	_ =	shalt  }
0x6a: {  	_ =	shalt  }
0x6b: {  	_ =	shalt  }
0x6c: {  	_ =	shalt  }
0x6d: {  	_ =	shalt  }
0x6e: {  	_ =	shalt  }
0x6f: {  	_ =	shalt  }
0x70: {  	_ =	shalt  }
0x71: {  	_ =	shalt  }
0x72: {  	_ =	shalt  }
0x73: {  	_ =	shalt  }
0x74: {  	_ =	shalt  }
0x75: {  	_ =	shalt  }
0x76: {  	_ =	shalt  }
0x77: {  	_ =	shalt  }
0x78: {  	_ =	shalt  }
0x79: {  	_ =	shalt  }
0x7a: {  	_ =	shalt  }
0x7b: {  	_ =	shalt  }
0x7c: {  	_ =	shalt  }
0x7d: {  	_ =	shalt  }
0x7e: {  	_ =	shalt  }
0x7f: {  	_ =	shalt  }
0x80: {  	_ =	shalt  }
0x81: {  	_ =	shalt  }
0x82: {  	_ =	shalt  }
0x83: {  	_ =	shalt  }
0x84: {  	_ =	shalt  }
0x85: {  	_ =	shalt  }
0x86: {  	_ =	shalt  }
0x87: {  	_ =	shalt  }
.Lfunc_end0:
.L_simem_size_0:
called_computation_lowered:
.L_overlay_start_0:
0x88: {  	s2 =	sld [smem:$0x3FD9]  }
0x89: {  	s3 =	sld [smem:$0x3FFE];
	_ =	sdelay $0x1  }
0x8a: {  	s1 =	srdreg.scid  }
0x8b: {  	s0 =	sand.u32 $0x1, s1  }
0x8c: {  	s17 =	sshll.u32 s0, $0xA;
	s2 =	sadd.s32 s3, s2  }
0x8d: {  	s2 =	sadd.s32 s2, s17  }
0x8e: {  	[smem:$0x3FC4] =	sst s2  }
0x8f: {  	_ = 	snop  }
0x90: {  	s2 =	sld [smem:$0x3FD0];
	(tm) =	ssettm $0x1  }
0x91: {  	s18 =	sld [smem:$0x3FFB];
	_ =	sdelay $0x3  }
0x92: {  	_ =	strace s18  }
0x93: {  	s3 =	sld [smem:$0x3FFC];
	_ =	sdelay $0x3  }
0x94: {  	_ =	strace s3  }
0x95: {  	s3 =	sld [smem:$0x3FFD];
	_ =	sdelay $0x3  }
0x96: {  	_ =	strace s3  }
0x97: {  	_ =	strace $0x8FFFFFFF  }
0x98: {  	s19 =	sld [smem:$0x3FDB];
	_ =	sdelay $0x1  }
0x99: {  	s4 =	simm.s32 $_scs_section_size  }
0x9a: {  	s5 =	simm.s32 $_size__tile_overlayer_lowered;
	s6 =	simm.s32 $_tile_overlayer_lowered  }
0x9b: {  	s22 =	simm.s32 $0x1BFF;
	s21 =	sshll.u32 s6, $0x1;
	s3 =	sadd.s32 s4, s19  }
0x9c: {  	s7 =	simm.s32 $0x0;
	s20 =	sshll.u32 s5, $0x1;
	s5 =	sadd.s32 s21, s3  }
0x9d: {  	[timem:s7], [sflag:s22] =	dma.local [hbm:s5], s20  }
0x9e: {  	_ =	swait.ge [sflag:s22], s20  }
0x9f: {  	s4 =	ssub.s32 $0x0, s20;
	[sflag:s22] =	ssyncset.done $0x0  }
0xa0: {  	[sflag:s22] =	ssyncadd.s32 s4;
	_ =	sdelay $0x1  }
0xa1: {  	s23 =	simm.s32 $0x1B8B  }
0xa2: {  	_ =	swait.ge [sflag:s23], $0x1  }
0xa3: {  	[sflag:s23] =	ssyncset.done $0x0  }
0xa4: {  	s25 =	simm.s32 $0x1B8E;
	s24 =	sld [smem:$0x3FFE];
	[sflag:s23] =	ssyncadd.s32 $0xFFFFFFFF  }
0xa5: {  	s26 =	simm.s32 $execute0_lowered;
	[smem:$0x3FD2] =	sst s25  }
0xa6: {  	s5 =	sshll.u32 s26, $0x1;
	_ =	strace $0x80000046;
	[dreg:$0x1] =	wrdreg $0xFFFFFFFF  }
0xa7: {  	s28 =	simm.s32 $_size_execute0_lowered;
	s3 =	sadd.s32 s3, s5;
	[dreg:$0x0] =	wrdreg $0x0  }
0xa8: {  	s5 =	sshll.u32 s28, $0x1;
	[dreg:$0x2] =	wrdreg s3  }
0xa9: {  	[dreg:$0x3] =	wrdreg s5  }
0xaa: {  	[dreg:$0x4] =	wrdreg $0xC0  }
0xab: {  	_ =	task [dreg:s7], $0x5FFFF  }
0xac: {  	[dreg:$0x1] =	wrdreg $0xFFFFFFFF  }
0xad: {  	[dreg:$0x0] =	wrdreg $0x60  }
0xae: {  	[dreg:$0x2] =	wrdreg s24  }
0xaf: {  	[dreg:$0x3] =	wrdreg s2  }
0xb0: {  	[dreg:$0x4] =	wrdreg $0x9  }
0xb1: {  	_ =	task.clear_ibuf [dreg:s7], $0x5FFFF;
	_ =	strace $0x90000046  }
0xb2: {  	s29 =	simm.s32 $0x9;
	_ =	strace $0x80000048  }
0xb3: {  	_ =	swait.ge [sflag:s29], $0x1  }
0xb4: {  	[sflag:s29] =	ssyncadd.s32 $0xFFFFFFFF  }
0xb5: {  	_ =	strace $0x90000048  }
0xb6: {  	_ =	sfence  }
0xb7: {  	s30 =	sld [smem:$0x0];
	_ =	sdelay $0x2  }
0xb8: {  	s31 =	sshll.u32 s1, $0xD;
	s1 =	sshrl.u32 s1, $0x2  }
0xb9: {  	s3 =	sand.u32 $0x4000, s31;
	s1 =	sadd.s32 s1, s30  }
0xba: {  	s0 =	sor.u32 s3, s0;
	s1 =	sshll.u32 s1, $0x11  }
0xbb: {  	s0 =	sor.u32 s1, s0  }
0xbc: {  	s0 =	sadd.s32 $0x8F2B, s0  }
0xbd: {  	[sflag:s0] =	ssyncadd.remote.s32 $0x1  }
0xbe: {  	_ =	sfence.sel $0xFFFF  }
0xbf: {  	[dreg:$0x0] =	wrdreg $0xFFFFFFFF;
	(pc) =	sbr.abs _section_cstart, $3  }
0xc0: {  	[dreg:$0x1] =	wrdreg $0xFFFFFFFF  }
0xc1: {  	_ =	task.clear_ibuf [dreg:s7], $0x2FFFF;
	_ =	strace $0x9FFFFFFF  }
0xc2: {  	(tm) =	ssettm $0x7FFFFFFF  }
0xc3: {  	_ =	shalt  }
tec
execute0_lowered:
.L_overlay_start_1:
0x0: {  	(tag) =	ssettag $0x1  }
0x1: {  	s4 =	rddreg [dreg:$0x0]  }
0x2: {  	s5 =	rddreg [dreg:$0x1]  }
0x3: {  	s0 =	rddreg [dreg:$0x2]  }
0x4: {  	s3 =	srdreg.scid;
	s1 =	stileid.u32;
	s2 =	simm.s32 $0x0  }
0x5: {  	s11 =	simm.s32 $0x2100;
	s12 =	simm.s32 $0x6100;
	s13 =	simm.s32 $0x2  }
0x6: {  	s14 =	simm.s32 $0x1;
	s15 =	simm.s32 $0xA100;
	s16 =	simm.s32 $0x0  }
0x7: {  	s6 =	sand.u32 $0x1, s3;
	s31 =	sshll.u32 s1, $0x1;
	[smem:$0x7FF] =	sst s2  }
0x8: {  	s3 =	sadd.s32 $0xC00, s4;
	s7 =	sor.u32 s6, s31;
	_ =	strace $0x80000047  }
0x9: {  	s6 =	ssub.s32 $0x2, s6;
	s8 =	sshll.u32 s7, $0x5;
	s9 =	sshll.u32 s7, $0xC  }
0xa: {  	s10 =	sshrl.u32 s6, $0x1;
	s7 =	sshll.u32 s7, $0xA;
	s8 =	sadd.s32 s8, s4  }
0xb: {  	s9 =	sadd.s32 s9, s4;
	s10 =	ssub.s32 s6, s10;
	s4 =	sadd.s32 s5, s7  }
0xc: {  	s5 =	sadd.s32 $0x800, s8;
	s6 =	sadd.s32 $0x20C00, s9;
	s7 =	smax.u32 s10, $0x1  }
0xd: {  	s8 =	simm.s32 $0x100;
	s9 =	simm.s32 $0x3;
	s10 =	simm.s32 $0x80  }
.LBB2_1:
0xe: {  	[tilespmem:s8], [sflag:$0x2] =	stream.linear.gather [hbm4b:s4+s2], $0x2000, $0x38;
	[tilespmem:$0x12100] =	vst v63  }
0xf: {  	_ = 	snop  }
0x10: {  	[tilespmem:s2], [sflag:$0x3] =	stream.linear.gather [hbm4b:s5+s2], $0x100, $0x38;
	[tilespmem:$0x12100] =	vst v63  }
0x11: {  	_ =	swait.ge [sflag:s9], $0x100  }
0x12: {  	[sflag:s9] =	ssyncset.done $0x0  }
0x13: {  	[sflag:s9] =	ssyncadd.s32 $0xFFFFFF00  }
0x14: {  	[tilespmem:s11], [sflag:$0x1] =	stream.indirect.gather [hbm4b:s3+s10], $0x80, s2, s10, $0xb8;
	[tilespmem:$0x12100] =	vst v63  }
0x15: {  	_ = 	snop  }
0x16: {  	[tilespmem:s12], [sflag:$0x1] =	stream.indirect.gather [hbm4b:s3+s10], $0x80, s10, s10, $0xb8;
	[tilespmem:$0x12100] =	vst v63  }
0x17: {  	_ =	swait.ge [sflag:s13], $0x2000  }
0x18: {  	[sflag:s13] =	ssyncset.done $0x0  }
0x19: {  	[sflag:s13] =	ssyncadd.s32 $0xFFFFE000  }
0x1a: {  	_ =	swait.ge [sflag:s14], $0x4000  }
0x1b: {  	[sflag:s14] =	ssyncset.done $0x0  }
0x1c: {  	s17 =	simm.s32 $0x0;
	[sflag:s14] =	ssyncadd.s32 $0xFFFFC000  }
0x1d: {  	s18 =	simm.s32 $0x120;
	v0 =	vld [tilespmem:s17+$0x2200]  }
0x1e: {  	v1 =	vld [tilespmem:s18+$0xFFFFFFE0]  }
0x1f: {  	v2 =	vld [tilespmem:s17+$0x2100]  }
0x20: {  	v3 =	vld [tilespmem:s17+$0x2180]  }
0x21: {  	v4 =	vld [tilespmem:s17+$0x2280];
	_ =	sdelay $0x1  }
0x22: {  	v0 =	vadd.f32 v0, v1  }
0x23: {  	v2 =	vadd.f32 v2, v1  }
0x24: {  	[tilespmem:s17+$0xA200] =	vst v0;
	v0 =	vadd.f32 v3, v1  }
0x25: {  	[tilespmem:s17+$0xA100] =	vst v2;
	v1 =	vadd.f32 v4, v1  }
0x26: {  	[tilespmem:s17+$0xA180] =	vst v0  }
0x27: {  	[tilespmem:s17+$0xA280] =	vst v1;
	v1 =	vld [tilespmem:s17+$0x2110]  }
0x28: {  	v3 =	vld [tilespmem:s18+$0xFFFFFFF0]  }
0x29: {  	v0 =	vld [tilespmem:s17+$0x2190]  }
0x2a: {  	v4 =	vld [tilespmem:s17+$0x2210]  }
0x2b: {  	v2 =	vld [tilespmem:s17+$0x2290];
	_ =	sdelay $0x1  }
0x2c: {  	v1 =	vadd.f32 v1, v3  }
0x2d: {  	v0 =	vadd.f32 v0, v3  }
0x2e: {  	[tilespmem:s17+$0xA110] =	vst v1;
	v1 =	vadd.f32 v4, v3  }
0x2f: {  	v5 =	vld [tilespmem:s17+$0x2220];
	[tilespmem:s17+$0xA190] =	vst v0;
	v0 =	vadd.f32 v2, v3  }
0x30: {  	[tilespmem:s17+$0xA210] =	vst v1;
	v1 =	vld [tilespmem:s17+$0x21A0]  }
0x31: {  	[tilespmem:s17+$0xA290] =	vst v0;
	v0 =	vld [tilespmem:s17+$0x2120]  }
0x32: {  	v3 =	vld [tilespmem:s18+$0x0]  }
0x33: {  	v4 =	vld [tilespmem:s17+$0x22A0];
	_ =	sdelay $0x3  }
0x34: {  	v2 =	vadd.f32 v0, v3;
	v1 =	vadd.f32 v1, v3  }
0x35: {  	s20 =	simm.s32 $0x800;
	s19 =	simm.s32 $0x120;
	v0 =	vadd.f32 v5, v3;
	v3 =	vadd.f32 v4, v3  }
.LBB2_2:
0x36: {  	p0 =	sne.s32 s20, $0xF800  }
0x37: {  	[tilespmem:s17+$0xA120] =	vst v2;
	s18 =	sadd.s32 $0x80, s18;
	s21 =	smov.u32 s20;
	s20 =	sadd.s32 $0x800, s20  }
0x38: {  	[tilespmem:s17+$0xA2A0] =	vst v3;
	v2 =	vld [tilespmem:s17+$0x22B0]  }
0x39: {  	[tilespmem:s17+$0xA1A0] =	vst v1;
	v1 =	vld [tilespmem:s17+$0x21B0]  }
0x3a: {  	[tilespmem:s17+$0xA220] =	vst v0;
	v0 =	vld [tilespmem:s17+$0x2130]  }
0x3b: {  	v3 =	vld [tilespmem:s19+$0x10];
	s19 =	smov.u32 s18  }
0x3c: {  	v4 =	vld [tilespmem:s17+$0x2230];
	_ =	sdelay $0x3  }
0x3d: {  	v0 =	vadd.f32 v0, v3;
	v1 =	vadd.f32 v1, v3  }
0x3e: {  	v2 =	vadd.f32 v2, v3;
	v4 =	vadd.f32 v4, v3  }
0x3f: {  	[tilespmem:s17+$0xA130] =	vst v0  }
0x40: {  	s21 =	sshra.s32 s21, $0x2;
	[tilespmem:s17+$0xA1B0] =	vst v1  }
0x41: {  	v0 =	vld [tilespmem:s21+$0x2280];
	[tilespmem:s17+$0xA230] =	vst v4  }
0x42: {  	v1 =	vld [tilespmem:s21+$0x2200];
	[tilespmem:s17+$0xA2B0] =	vst v2;
	s17 =	smov.u32 s21  }
0x43: {  	v2 =	vld [tilespmem:s18+$0xFFFFFFE0]  }
0x44: {  	v3 =	vld [tilespmem:s17+$0x2100]  }
0x45: {  	v4 =	vld [tilespmem:s17+$0x2180];
	_ =	sdelay $0x2  }
0x46: {  	v1 =	vadd.f32 v1, v2;
	v0 =	vadd.f32 v0, v2  }
0x47: {  	v3 =	vadd.f32 v3, v2  }
0x48: {  	v2 =	vadd.f32 v4, v2;
	[tilespmem:s17+$0xA200] =	vst v1  }
0x49: {  	[tilespmem:s17+$0xA100] =	vst v3;
	v1 =	vld [tilespmem:s17+$0x2290]  }
0x4a: {  	[tilespmem:s17+$0xA180] =	vst v2;
	v2 =	vld [tilespmem:s17+$0x2190]  }
0x4b: {  	[tilespmem:s17+$0xA280] =	vst v0;
	v0 =	vld [tilespmem:s17+$0x2110]  }
0x4c: {  	v3 =	vld [tilespmem:s18+$0xFFFFFFF0]  }
0x4d: {  	v4 =	vld [tilespmem:s17+$0x2210];
	_ =	sdelay $0x3  }
0x4e: {  	v0 =	vadd.f32 v0, v3;
	v2 =	vadd.f32 v2, v3  }
0x4f: {  	v1 =	vadd.f32 v1, v3;
	v4 =	vadd.f32 v4, v3  }
0x50: {  	[tilespmem:s17+$0xA110] =	vst v0  }
0x51: {  	[tilespmem:s17+$0xA190] =	vst v2;
	v3 =	vld [tilespmem:s17+$0x22A0]  }
0x52: {  	[tilespmem:s17+$0xA210] =	vst v4;
	v0 =	vld [tilespmem:s17+$0x21A0]  }
0x53: {  	[tilespmem:s17+$0xA290] =	vst v1;
	v1 =	vld [tilespmem:s17+$0x2120]  }
0x54: {  	v4 =	vld [tilespmem:s18+$0x0]  }
0x55: {  	v5 =	vld [tilespmem:s17+$0x2220]  }
.Ltmp0:
0x56: {  	(pc) =	sbr.rel @p0 .LBB2_2-.Ltmp0, $3  }
0x57: {  	_ =	sdelay $0x1  }
0x58: {  	v2 =	vadd.f32 v1, v4;
	v1 =	vadd.f32 v0, v4  }
0x59: {  	v3 =	vadd.f32 v3, v4;
	v0 =	vadd.f32 v5, v4  }
0x5a: {  	[tilespmem:s17+$0xA120] =	vst v2  }
0x5b: {  	[tilespmem:s17+$0xA1A0] =	vst v1  }
0x5c: {  	[tilespmem:s17+$0xA2A0] =	vst v3  }
0x5d: {  	[tilespmem:s17+$0xA220] =	vst v0;
	v0 =	vld [tilespmem:s17+$0x2130]  }
0x5e: {  	v3 =	vld [tilespmem:s19+$0x10]  }
0x5f: {  	v1 =	vld [tilespmem:s17+$0x21B0]  }
0x60: {  	v4 =	vld [tilespmem:s17+$0x2230]  }
0x61: {  	v2 =	vld [tilespmem:s17+$0x22B0];
	_ =	sdelay $0x1  }
0x62: {  	v0 =	vadd.f32 v0, v3  }
0x63: {  	v1 =	vadd.f32 v1, v3  }
0x64: {  	v4 =	vadd.f32 v4, v3;
	[tilespmem:s17+$0xA130] =	vst v0  }
0x65: {  	v0 =	vadd.f32 v2, v3;
	[tilespmem:s17+$0xA1B0] =	vst v1  }
0x66: {  	[tilespmem:s17+$0xA230] =	vst v4  }
0x67: {  	[tilespmem:s17+$0xA2B0] =	vst v0  }
0x68: {  	_ =	swait.ge [sflag:s14], $0x4000  }
0x69: {  	[sflag:s14] =	ssyncset.done $0x0  }
0x6a: {  	s17 =	simm.s32 $0x0;
	[sflag:s14] =	ssyncadd.s32 $0xFFFFC000  }
0x6b: {  	s18 =	simm.s32 $0x1130;
	v0 =	vld [tilespmem:s17+$0x6200]  }
0x6c: {  	v1 =	vld [tilespmem:s18+$0xFFFFFFD0]  }
0x6d: {  	v2 =	vld [tilespmem:s17+$0x6100]  }
0x6e: {  	v3 =	vld [tilespmem:s17+$0x6180]  }
0x6f: {  	v4 =	vld [tilespmem:s17+$0x6280];
	_ =	sdelay $0x1  }
0x70: {  	v0 =	vadd.f32 v0, v1  }
0x71: {  	v2 =	vadd.f32 v2, v1  }
0x72: {  	[tilespmem:s17+$0xE200] =	vst v0;
	v0 =	vadd.f32 v3, v1  }
0x73: {  	[tilespmem:s17+$0xE100] =	vst v2;
	v1 =	vadd.f32 v4, v1  }
0x74: {  	[tilespmem:s17+$0xE180] =	vst v0  }
0x75: {  	[tilespmem:s17+$0xE280] =	vst v1;
	v1 =	vld [tilespmem:s17+$0x6110]  }
0x76: {  	v3 =	vld [tilespmem:s18+$0xFFFFFFE0]  }
0x77: {  	v0 =	vld [tilespmem:s17+$0x6190]  }
0x78: {  	v4 =	vld [tilespmem:s17+$0x6210]  }
0x79: {  	v2 =	vld [tilespmem:s17+$0x6290];
	_ =	sdelay $0x1  }
0x7a: {  	v1 =	vadd.f32 v1, v3  }
0x7b: {  	v0 =	vadd.f32 v0, v3  }
0x7c: {  	[tilespmem:s17+$0xE110] =	vst v1;
	v1 =	vadd.f32 v4, v3  }
0x7d: {  	v5 =	vld [tilespmem:s17+$0x6220];
	[tilespmem:s17+$0xE190] =	vst v0;
	v0 =	vadd.f32 v2, v3  }
0x7e: {  	[tilespmem:s17+$0xE210] =	vst v1;
	v1 =	vld [tilespmem:s17+$0x61A0]  }
0x7f: {  	[tilespmem:s17+$0xE290] =	vst v0;
	v0 =	vld [tilespmem:s17+$0x6120]  }
0x80: {  	v3 =	vld [tilespmem:s18+$0xFFFFFFF0]  }
0x81: {  	v4 =	vld [tilespmem:s17+$0x62A0];
	_ =	sdelay $0x3  }
0x82: {  	v2 =	vadd.f32 v0, v3;
	v1 =	vadd.f32 v1, v3  }
0x83: {  	s20 =	simm.s32 $0x800;
	s19 =	simm.s32 $0x1130;
	v0 =	vadd.f32 v5, v3;
	v3 =	vadd.f32 v4, v3  }
.LBB2_4:
0x84: {  	p0 =	sne.s32 s20, $0xF800  }
0x85: {  	[tilespmem:s17+$0xE120] =	vst v2;
	s18 =	sadd.s32 $0x80, s18;
	s21 =	smov.u32 s20;
	s20 =	sadd.s32 $0x800, s20  }
0x86: {  	[tilespmem:s17+$0xE2A0] =	vst v3;
	v2 =	vld [tilespmem:s17+$0x62B0]  }
0x87: {  	[tilespmem:s17+$0xE1A0] =	vst v1;
	v1 =	vld [tilespmem:s17+$0x61B0]  }
0x88: {  	[tilespmem:s17+$0xE220] =	vst v0;
	v0 =	vld [tilespmem:s17+$0x6130]  }
0x89: {  	v3 =	vld [tilespmem:s19+$0x0];
	s19 =	smov.u32 s18  }
0x8a: {  	v4 =	vld [tilespmem:s17+$0x6230];
	_ =	sdelay $0x3  }
0x8b: {  	v0 =	vadd.f32 v0, v3;
	v1 =	vadd.f32 v1, v3  }
0x8c: {  	v2 =	vadd.f32 v2, v3;
	v4 =	vadd.f32 v4, v3  }
0x8d: {  	[tilespmem:s17+$0xE130] =	vst v0  }
0x8e: {  	s21 =	sshra.s32 s21, $0x2;
	[tilespmem:s17+$0xE1B0] =	vst v1  }
0x8f: {  	v0 =	vld [tilespmem:s21+$0x6280];
	[tilespmem:s17+$0xE230] =	vst v4  }
0x90: {  	v1 =	vld [tilespmem:s21+$0x6200];
	[tilespmem:s17+$0xE2B0] =	vst v2;
	s17 =	smov.u32 s21  }
0x91: {  	v2 =	vld [tilespmem:s18+$0xFFFFFFD0]  }
0x92: {  	v3 =	vld [tilespmem:s17+$0x6100]  }
0x93: {  	v4 =	vld [tilespmem:s17+$0x6180];
	_ =	sdelay $0x2  }
0x94: {  	v1 =	vadd.f32 v1, v2;
	v0 =	vadd.f32 v0, v2  }
0x95: {  	v3 =	vadd.f32 v3, v2  }
0x96: {  	v2 =	vadd.f32 v4, v2;
	[tilespmem:s17+$0xE200] =	vst v1  }
0x97: {  	[tilespmem:s17+$0xE100] =	vst v3;
	v1 =	vld [tilespmem:s17+$0x6290]  }
0x98: {  	[tilespmem:s17+$0xE180] =	vst v2;
	v2 =	vld [tilespmem:s17+$0x6190]  }
0x99: {  	[tilespmem:s17+$0xE280] =	vst v0;
	v0 =	vld [tilespmem:s17+$0x6110]  }
0x9a: {  	v3 =	vld [tilespmem:s18+$0xFFFFFFE0]  }
0x9b: {  	v4 =	vld [tilespmem:s17+$0x6210];
	_ =	sdelay $0x3  }
0x9c: {  	v0 =	vadd.f32 v0, v3;
	v2 =	vadd.f32 v2, v3  }
0x9d: {  	v1 =	vadd.f32 v1, v3;
	v4 =	vadd.f32 v4, v3  }
0x9e: {  	[tilespmem:s17+$0xE110] =	vst v0  }
0x9f: {  	[tilespmem:s17+$0xE190] =	vst v2;
	v3 =	vld [tilespmem:s17+$0x62A0]  }
0xa0: {  	[tilespmem:s17+$0xE210] =	vst v4;
	v0 =	vld [tilespmem:s17+$0x61A0]  }
0xa1: {  	[tilespmem:s17+$0xE290] =	vst v1;
	v1 =	vld [tilespmem:s17+$0x6120]  }
0xa2: {  	v4 =	vld [tilespmem:s18+$0xFFFFFFF0]  }
0xa3: {  	v5 =	vld [tilespmem:s17+$0x6220]  }
.Ltmp1:
0xa4: {  	(pc) =	sbr.rel @p0 .LBB2_4-.Ltmp1, $3  }
0xa5: {  	_ =	sdelay $0x1  }
0xa6: {  	v2 =	vadd.f32 v1, v4;
	v1 =	vadd.f32 v0, v4  }
0xa7: {  	v3 =	vadd.f32 v3, v4;
	v0 =	vadd.f32 v5, v4  }
0xa8: {  	[tilespmem:s17+$0xE120] =	vst v2  }
0xa9: {  	[tilespmem:s17+$0xE1A0] =	vst v1  }
0xaa: {  	[tilespmem:s17+$0xE2A0] =	vst v3  }
0xab: {  	v62 =	vld [tilespmem:s17+$0x6130];
	[tilespmem:s17+$0xE220] =	vst v0  }
0xac: {  	v3 =	vld [tilespmem:s19+$0x0]  }
0xad: {  	v61 =	vld [tilespmem:s17+$0x61B0]  }
0xae: {  	v4 =	vld [tilespmem:s17+$0x6230]  }
0xaf: {  	v60 =	vld [tilespmem:s17+$0x62B0];
	_ =	sdelay $0x1  }
0xb0: {  	v0 =	vadd.f32 v62, v3  }
0xb1: {  	v1 =	vadd.f32 v61, v3  }
0xb2: {  	v4 =	vadd.f32 v4, v3;
	[tilespmem:s17+$0xE130] =	vst v0  }
0xb3: {  	s16 =	sadd.s32 $0x1, s16;
	v63 =	vadd.f32 v60, v3;
	[tilespmem:s17+$0xE1B0] =	vst v1  }
0xb4: {  	p0 =	sne.s32 s16, s7;
	[tilespmem:s17+$0xE230] =	vst v4  }
.Ltmp2:
0xb5: {  	[tilespmem:s17+$0xE2B0] =	vst v63;
	(pc) =	sbr.rel @p0 .LBB2_1-.Ltmp2, $4  }
0xb6: {  	[hbm4b:s6+s2] =	stream.linear.scatter [tilespmem:s15], [sflag:$0x3], $0x8000, $0x38;
	[tilespmem:$0x12100] =	vst v63  }
0xb7: {  	_ =	swait.ge [sflag:s9], $0x8000  }
0xb8: {  	[sflag:s9] =	ssyncset.done $0x0  }
0xb9: {  	[sflag:s9] =	ssyncadd.s32 $0xFFFF8000  }
0xba: {  	_ =	sfence.sel $0x180000  }
0xbb: {  	[bflag:$0x0] =	sbarrier.arrive $0xFFFF  }
0xbc: {  	p0 =	sne.s32 s1, $0x0;
	_ =	strace $0x90000047  }
0xbd: {  	s0 =	sadd.s32 @!p0 $0x100000, s0;
	[bflag:$0x2] =	sbarrier.arrive $0xFFFF  }
0xbe: {  	[sflag:s0] =	ssyncadd.tile.s32 @!p0 $0x1;
	_ =	shalt  }
.Lfunc_end2:
_tile_overlayer_lowered:
.L_overlay_start_2:
0xbf: {  	(tag) =	ssettag $0x2  }
0xc0: {  	s0 =	rddreg [dreg:$0x0];
	s2 =	stileid.u32  }
0xc1: {  	s1 =	rddreg [dreg:$0x1];
	p0 =	sne.s32 s2, $0x0  }
0xc2: {  	s3 =	rddreg [dreg:$0x2];
	[bflag:$0x3] =	sbarrier.arrive $0xFFFF;
	s2 =	simm.s32 @!p0 $0x1C03  }
0xc3: {  	[timem:s3], [sflag:s2] =	dma.local @!p0 [hbm:s0], s1  }
0xc4: {  	s0 =	simm.s32 @!p0 $0x3  }
0xc5: {  	_ =	swait.ge @!p0 [sflag:s0], s1  }
0xc6: {  	s1 =	ssub.s32 @!p0 $0x0, s1;
	[sflag:s0] =	ssyncset.done @!p0 $0x0  }
0xc7: {  	[sflag:s0] =	ssyncadd.s32 @!p0 s1  }
0xc8: {  	[bflag:$0x3] =	sbarrier.arrive $0xFFFF  }
0xc9: {  	_ =	shalt  }

</sc_bundles>
